<compile_context>
chip_gen: v7x
topology: tpu7x:2x2x1
jax: 0.10.2.dev20260603
libtpu: 0.0.44.dev20260713+nightly
codegen_flags: <defaults>
</compile_context>

<pallas_src>
import functools

import jax
import jax.numpy as jnp
from jax import lax
from jax.experimental import pallas as pl
from jax.experimental.pallas import tpu as pltpu
from jax.experimental.pallas import tpu_sc as plsc

N = 10000
D = 128
NP = 10240
NC = 2
NS = 16
CHUNK = 112
NSLOT = 3
RPT = NP // NS

@functools.cache
def _get_mesh():
    return plsc.VectorSubcoreMesh(core_axis_name="c", subcore_axis_name="s",
                                  num_cores=NC, num_subcores=NS)


def _chunk_split(e, f0):
    per_tile = 2 * NSLOT * (-(-e // (NS * 2 * NSLOT * CHUNK)))
    n0 = max(NSLOT, min(per_tile - NSLOT,
                        NSLOT * round(f0 * per_tile / NSLOT)))
    return n0, per_tile - n0



def _make_deg_kernel(NCHT):
    @functools.partial(
        pl.kernel,
        out_type=jax.ShapeDtypeStruct((NC, NP, D), jnp.float32),
        mesh=_get_mesh(),
        scratch_types=[
            pltpu.VMEM((CHUNK,), jnp.int32),
            pltpu.VMEM((CHUNK,), jnp.int32),
            pltpu.VMEM((CHUNK, D), jnp.float32),
            pltpu.VMEM_SHARED((NP, D), jnp.float32),
            pltpu.SemaphoreType.DMA,
            pltpu.SemaphoreType.DMA,
            pltpu.SemaphoreType.DMA,
            pltpu.SemaphoreType.DMA,
        ],
    )
    def deg_kernel(dst_hbm, zdeg_hbm, ones_hbm, out_hbm,
                   dstA, dstB, ones_v, deg_sp, iA, iB, sA, sB):
        c = lax.axis_index("c")
        s = lax.axis_index("s")
        w = c * NS + s
        pltpu.sync_copy(zdeg_hbm, deg_sp.at[pl.ds(s * RPT, RPT)])
        pltpu.sync_copy(ones_hbm, ones_v)
        tile_base = w * NCHT * CHUNK

        def idx_start(buf, sem, k):
            pltpu.async_copy(dst_hbm.at[pl.ds(tile_base + k * CHUNK, CHUNK)],
                             buf, sem)

        def idx_wait(buf, sem):
            pltpu.make_async_copy(dst_hbm.at[pl.ds(0, CHUNK)], buf, sem).wait()

        def s_start(buf, sem):
            pltpu.async_copy(ones_v, deg_sp.at[buf], sem, add=True)

        def s_wait(buf, sem):
            pltpu.make_async_copy(ones_v, deg_sp.at[buf], sem).wait()

        plsc.subcore_barrier()
        idx_start(dstA, iA, 0)
        idx_start(dstB, iB, 1)
        NH2 = NCHT // 2

        def body(gg, carry):
            k0 = 2 * gg
            idx_wait(dstA, iA)
            s_start(dstA, sA)
            idx_wait(dstB, iB)
            s_start(dstB, sB)
            s_wait(dstA, sA)

            @pl.when(k0 + 2 < NCHT)
            def _():
                idx_start(dstA, iA, k0 + 2)

            s_wait(dstB, sB)

            @pl.when(k0 + 3 < NCHT)
            def _():
                idx_start(dstB, iB, k0 + 3)

            return carry

        lax.fori_loop(0, NH2, body, 0)
        if NCHT % 2 == 1:
            idx_wait(dstA, iA)
            s_start(dstA, sA)
            s_wait(dstA, sA)
        plsc.subcore_barrier()
        pltpu.sync_copy(deg_sp.at[pl.ds(s * RPT, RPT)],
                        out_hbm.at[c, pl.ds(s * RPT, RPT)])

    return deg_kernel


def _make_prop_kernel(n0, n1):
    assert n0 % NSLOT == 0 and n1 % NSLOT == 0

    @functools.partial(
        pl.kernel,
        out_type=jax.ShapeDtypeStruct((NC, NP, D), jnp.float32),
        mesh=_get_mesh(),
        scratch_types=(
            [pltpu.VMEM((CHUNK,), jnp.int32)] * NSLOT
            + [pltpu.VMEM((CHUNK,), jnp.int32)] * NSLOT
            + [pltpu.VMEM((CHUNK, D), jnp.float32)] * NSLOT
            + [pltpu.VMEM_SHARED((NP, D), jnp.float32)]
            + [pltpu.SemaphoreType.DMA] * (3 * NSLOT)
        ),
    )
    def prop_kernel(src_hbm, dst_hbm, g_hbm, zrow_hbm, out_hbm, *sc):
        srcs = sc[0:NSLOT]
        dsts = sc[NSLOT:2 * NSLOT]
        rows = sc[2 * NSLOT:3 * NSLOT]
        acc_sp = sc[3 * NSLOT]
        isem = sc[3 * NSLOT + 1:4 * NSLOT + 1]
        gsem = sc[4 * NSLOT + 1:5 * NSLOT + 1]
        ssem = sc[5 * NSLOT + 1:6 * NSLOT + 1]
        c = lax.axis_index("c")
        s = lax.axis_index("s")
        nct = jnp.where(c == 0, n0, n1)
        base_chunk = jnp.where(c == 0, s * n0, NS * n0 + s * n1)
        tile_base = base_chunk * CHUNK
        pltpu.sync_copy(zrow_hbm, acc_sp.at[pl.ds(s * RPT, RPT)])

        def idx_start(j, k):
            base = tile_base + k * CHUNK
            pltpu.async_copy(src_hbm.at[pl.ds(base, CHUNK)], srcs[j], isem[j])
            pltpu.async_copy(dst_hbm.at[pl.ds(base, CHUNK)], dsts[j], isem[j])

        def idx_wait(j):
            pltpu.make_async_copy(src_hbm.at[pl.ds(0, CHUNK)], srcs[j], isem[j]).wait()
            pltpu.make_async_copy(dst_hbm.at[pl.ds(0, CHUNK)], dsts[j], isem[j]).wait()

        def g_start(j):
            pltpu.async_copy(g_hbm.at[srcs[j]], rows[j], gsem[j])

        def g_wait(j):
            pltpu.make_async_copy(g_hbm.at[srcs[j]], rows[j], gsem[j]).wait()

        def s_start(j):
            pltpu.async_copy(rows[j], acc_sp.at[dsts[j]], ssem[j], add=True)

        def s_wait(j):
            pltpu.make_async_copy(rows[j], acc_sp.at[dsts[j]], ssem[j]).wait()

        plsc.subcore_barrier()
        for j in range(NSLOT):
            idx_start(j, j)

        def body(gg, carry):
            k0 = NSLOT * gg
            for j in range(NSLOT):
                idx_wait(j)
                g_start(j)
            for j in range(NSLOT):
                g_wait(j)
                s_start(j)
            for j in range(NSLOT):
                s_wait(j)

                @pl.when(k0 + NSLOT + j < nct)
                def _():
                    idx_start(j, k0 + NSLOT + j)

            return carry

        lax.fori_loop(0, nct // NSLOT, body, 0)
        plsc.subcore_barrier()
        pltpu.sync_copy(acc_sp.at[pl.ds(s * RPT, RPT)],
                        out_hbm.at[c, pl.ds(s * RPT, RPT)])

    return prop_kernel



_BR = 2048
_GRID = NP // _BR


def _dinv_from_partials(dp):
    s = jnp.sum(dp, axis=0)
    s = jnp.sum(s, axis=1, keepdims=True)
    return lax.rsqrt(s * (1.0 / 128.0) + 1.0)


def _tc_a_body(dp_ref, x_ref, w_ref, g_ref):
    dinv = _dinv_from_partials(dp_ref[...])
    g_ref[...] = jnp.dot(x_ref[...], w_ref[...],
                         preferred_element_type=jnp.float32) * dinv


def _tc_b_body(dp_ref, p_ref, g_ref, b_ref, w_ref, out_ref):
    dinv = _dinv_from_partials(dp_ref[...])
    p = p_ref[...]
    t = (p[0] + p[1] + g_ref[...]) * dinv + b_ref[...]
    z = jnp.maximum(t, 0.0)
    out_ref[...] = jnp.dot(z, w_ref[...],
                           preferred_element_type=jnp.float32) * dinv


def _tc_c_body(dp_ref, p_ref, g_ref, b_ref, out_ref):
    dinv = _dinv_from_partials(dp_ref[...])
    p = p_ref[...]
    out_ref[...] = (p[0] + p[1] + g_ref[...]) * dinv + b_ref[...]


_dp_spec = pl.BlockSpec((NC, _BR, D), lambda i: (0, i, 0))
_row_spec = pl.BlockSpec((_BR, D), lambda i: (i, 0))
_p_spec = pl.BlockSpec((NC, _BR, D), lambda i: (0, i, 0))
_w_spec = pl.BlockSpec((D, D), lambda i: (0, 0))
_b_spec = pl.BlockSpec((1, D), lambda i: (0, 0))
_out_shape = jax.ShapeDtypeStruct((NP, D), jnp.float32)

_tc_a = pl.pallas_call(
    _tc_a_body, grid=(_GRID,),
    in_specs=[_dp_spec, _row_spec, _w_spec],
    out_specs=_row_spec, out_shape=_out_shape)

_tc_b = pl.pallas_call(
    _tc_b_body, grid=(_GRID,),
    in_specs=[_dp_spec, _p_spec, _row_spec, _b_spec, _w_spec],
    out_specs=_row_spec, out_shape=_out_shape)

_tc_c = pl.pallas_call(
    _tc_c_body, grid=(_GRID,),
    in_specs=[_dp_spec, _p_spec, _row_spec, _b_spec],
    out_specs=_row_spec, out_shape=_out_shape)



_F0 = 0.5


def kernel(x, edge_index, W1, b1, W2, b2):
    e = edge_index.shape[1]
    n0, n1 = _chunk_split(e, _F0)
    ep = NS * (n0 + n1) * CHUNK
    ncht_deg = ep // (NC * NS * CHUNK)

    src = edge_index[0].astype(jnp.int32)
    dst = edge_index[1].astype(jnp.int32)
    pad = N + (jnp.arange(ep - e, dtype=jnp.int32) % (NP - N))
    srcp = jnp.concatenate([src, pad])
    dstp = jnp.concatenate([dst, pad])
    xp = jnp.pad(x, ((0, NP - x.shape[0]), (0, 0)))

    ones_c = jnp.ones((CHUNK, D), jnp.float32)
    zrow = jnp.zeros((RPT, D), jnp.float32)

    dp = _make_deg_kernel(ncht_deg)(dstp, zrow, ones_c)
    g1 = _tc_a(dp, xp, W1)
    prop = _make_prop_kernel(n0, n1)
    p1 = prop(srcp, dstp, g1, zrow)
    g2 = _tc_b(dp, p1, g1, b1.reshape(1, D), W2)
    p2 = prop(srcp, dstp, g2, zrow)
    out = _tc_c(dp, p2, g2, b2.reshape(1, D))
    return out[:N]

# --- scband reference (transcript-rebuilt; emitter-appended) ---
"""Pipeline reference for scband-base-gnn-20675972563376 (READ-ONLY COPY).

The authoritative reference and input builder live on the scoring server;
editing this copy changes nothing except your own understanding.
"""

import jax, jax.numpy as jnp
import numpy as np

N_NODES = 10000
D_FEAT = 128
N_EDGES = 320000


def gcn_conv(x, src, dst, W, b):
    n = x.shape[0]
    # add self-loops
    loop = jnp.arange(n, dtype=src.dtype)
    s = jnp.concatenate([src, loop])
    d = jnp.concatenate([dst, loop])
    deg = jnp.zeros((n,), dtype=x.dtype).at[d].add(1.0)
    dinv = jax.lax.rsqrt(jnp.maximum(deg, 1.0))
    h = x @ W
    norm = (dinv[s] * dinv[d])[:, None]
    msg = jnp.take(h, s, axis=0) * norm
    out = jnp.zeros_like(h).at[d].add(msg)
    return out + b


def setup_inputs(seed: int = 0) -> dict:
    key = jax.random.key(seed)
    k1, k2, k3, k4, k5 = jax.random.split(key, 5)
    x = jax.random.normal(k1, (N_NODES, D_FEAT), dtype=jnp.float32)
    edge_index = jax.random.randint(k2, (2, N_EDGES), 0, N_NODES, dtype=jnp.int64 if jax.config.read('jax_enable_x64') else jnp.int32)
    scale = 1.0 / np.sqrt(D_FEAT)
    W1 = jax.random.uniform(k3, (D_FEAT, D_FEAT), dtype=jnp.float32, minval=-scale, maxval=scale)
    b1 = jnp.zeros((D_FEAT,), dtype=jnp.float32)
    W2 = jax.random.uniform(k4, (D_FEAT, D_FEAT), dtype=jnp.float32, minval=-scale, maxval=scale)
    b2 = jnp.zeros((D_FEAT,), dtype=jnp.float32)
    return {"x": x, "edge_index": edge_index, "W1": W1, "b1": b1, "W2": W2, "b2": b2}


def reference(x, edge_index, W1, b1, W2, b2):
    # BaseGNN.forward with convs = [GCNConv(128,128), GCNConv(128,128)], dropout=0.0
    src = edge_index[0]
    dst = edge_index[1]
    h = gcn_conv(x, src, dst, W1, b1)
    h = jax.nn.relu(h)
    # dropout p=0.0 -> identity
    out = gcn_conv(h, src, dst, W2, b2)
    return out

if __name__ == "__main__":
    import jax
    _d = setup_inputs()
    print(jax.jit(kernel)(*tuple(_d.values())))

</pallas_src>

<mosaic_0001>
#map = affine_map<(d0, d1) -> (0)>
#map1 = affine_map<(d0, d1) -> (0, 0)>
#map2 = affine_map<(d0, d1) -> (0, 0, 0)>
module attributes {stable_mosaic.version = 14 : i64} {
  func.func @prop_kernel(%arg0: i32, %arg1: i32, %arg2: memref<322560xi32, #tpu.memory_space<hbm>>, %arg3: memref<322560xi32, #tpu.memory_space<hbm>>, %arg4: memref<10240x128xf32, #tpu.memory_space<hbm>>, %arg5: memref<640x128xf32, #tpu.memory_space<hbm>>, %arg6: memref<2x10240x128xf32, #tpu.memory_space<hbm>>, %arg7: memref<112xi32, #tpu.memory_space<vmem>>, %arg8: memref<112xi32, #tpu.memory_space<vmem>>, %arg9: memref<112xi32, #tpu.memory_space<vmem>>, %arg10: memref<112xi32, #tpu.memory_space<vmem>>, %arg11: memref<112xi32, #tpu.memory_space<vmem>>, %arg12: memref<112xi32, #tpu.memory_space<vmem>>, %arg13: memref<112x128xf32, #tpu.memory_space<vmem>>, %arg14: memref<112x128xf32, #tpu.memory_space<vmem>>, %arg15: memref<112x128xf32, #tpu.memory_space<vmem>>, %arg16: memref<10240x128xf32, #tpu.memory_space<vmem_shared>>, %arg17: memref<!tpu.dma_semaphore, #tpu.memory_space<semaphore_mem>>, %arg18: memref<!tpu.dma_semaphore, #tpu.memory_space<semaphore_mem>>, %arg19: memref<!tpu.dma_semaphore, #tpu.memory_space<semaphore_mem>>, %arg20: memref<!tpu.dma_semaphore, #tpu.memory_space<semaphore_mem>>, %arg21: memref<!tpu.dma_semaphore, #tpu.memory_space<semaphore_mem>>, %arg22: memref<!tpu.dma_semaphore, #tpu.memory_space<semaphore_mem>>, %arg23: memref<!tpu.dma_semaphore, #tpu.memory_space<semaphore_mem>>, %arg24: memref<!tpu.dma_semaphore, #tpu.memory_space<semaphore_mem>>, %arg25: memref<!tpu.dma_semaphore, #tpu.memory_space<semaphore_mem>>) attributes {dimension_semantics = [#tpu.dimension_semantics<core_parallel>, #tpu.dimension_semantics<subcore_parallel>], iteration_bounds = array<i64: 2, 16>, scalar_prefetch = 0 : i64, scratch_operands = 19 : i64, tpu.core_type = #tpu.core_type<sc_vector_subcore>, window_params = [{transform_indices = #map}, {transform_indices = #map}, {transform_indices = #map1}, {transform_indices = #map1}, {transform_indices = #map2}]} {
    %eq3A = arith.constant 0 : i32
    %eq3A_0 = arith.cmpi eq, %arg0, %eq3A : i32
    %jit3A = arith.constant 90 : i32
    %jit3A_1 = arith.constant 90 : i32
    %select_n3A = arith.select %eq3A_0, %jit3A, %jit3A_1 : i32
    %eq3A_2 = arith.constant 0 : i32
    %eq3A_3 = arith.cmpi eq, %arg0, %eq3A_2 : i32
    %mul3A = arith.constant 90 : i32
    %mul3A_4 = arith.muli %arg1, %mul3A : i32
    %mul3A_5 = arith.constant 90 : i32
    %mul3A_6 = arith.muli %arg1, %mul3A_5 : i32
    %add3A = arith.constant 1440 : i32
    %add3A_7 = arith.addi %add3A, %mul3A_6 : i32
    %select_n3A_8 = arith.select %eq3A_3, %mul3A_4, %add3A_7 : i32
    %mul3A_9 = arith.constant 112 : i32
    %mul3A_10 = arith.muli %select_n3A_8, %mul3A_9 : i32
    %mul3A_11 = arith.constant 640 : i32
    %mul3A_12 = arith.muli %arg1, %mul3A_11 : i32
    "tpu.region"() ({
      %run_scoped3A = tpu.sem_alloc : memref<!tpu.dma_semaphore, #tpu.memory_space<semaphore_mem>>
      %dma_start3A_62 = arith.constant 0 : i32
      %dma_start3A_63 = tpu.memref_slice %arg16[%mul3A_12, %dma_start3A_62] : memref<10240x128xf32, #tpu.memory_space<vmem_shared>> -> memref<640x128xf32, #tpu.memory_space<vmem_shared>>
      tpu.enqueue_dma source(%arg5 : memref<640x128xf32, #tpu.memory_space<hbm>>) target(%dma_start3A_63 : memref<640x128xf32, #tpu.memory_space<vmem_shared>>) target_semaphore(%run_scoped3A : memref<!tpu.dma_semaphore, #tpu.memory_space<semaphore_mem>>)
      %dma_wait3A = arith.constant 0 : i32
      %dma_wait3A_64 = tpu.memref_slice %arg16[%mul3A_12, %dma_wait3A] : memref<10240x128xf32, #tpu.memory_space<vmem_shared>> -> memref<640x128xf32, #tpu.memory_space<vmem_shared>>
      tpu.wait_dma2 semaphore(%run_scoped3A : memref<!tpu.dma_semaphore, #tpu.memory_space<semaphore_mem>>) src(%arg5 : memref<640x128xf32, #tpu.memory_space<hbm>>) dst(%dma_wait3A_64 : memref<640x128xf32, #tpu.memory_space<vmem_shared>>)
      tpu.yield
    }) : () -> ()
    %barrier3A = arith.constant 0 : index
    tpu.barrier barrier_id(%barrier3A)
    %add3A_13 = arith.constant 0 : i32
    %add3A_14 = arith.addi %mul3A_10, %add3A_13 : i32
    %dma_start3A = tpu.memref_slice %arg2[%add3A_14] : memref<322560xi32, #tpu.memory_space<hbm>> -> memref<112xi32, #tpu.memory_space<hbm>>
    %dma_start3A_15 = tpu.memref_slice %arg2[%add3A_14] : memref<322560xi32, #tpu.memory_space<hbm>> -> memref<112xi32, #tpu.memory_space<hbm>>
    tpu.enqueue_dma source(%dma_start3A_15 : memref<112xi32, #tpu.memory_space<hbm>>) target(%arg7 : memref<112xi32, #tpu.memory_space<vmem>>) target_semaphore(%arg17 : memref<!tpu.dma_semaphore, #tpu.memory_space<semaphore_mem>>)
    %dma_start3A_16 = tpu.memref_slice %arg3[%add3A_14] : memref<322560xi32, #tpu.memory_space<hbm>> -> memref<112xi32, #tpu.memory_space<hbm>>
    %dma_start3A_17 = tpu.memref_slice %arg3[%add3A_14] : memref<322560xi32, #tpu.memory_space<hbm>> -> memref<112xi32, #tpu.memory_space<hbm>>
    tpu.enqueue_dma source(%dma_start3A_17 : memref<112xi32, #tpu.memory_space<hbm>>) target(%arg10 : memref<112xi32, #tpu.memory_space<vmem>>) target_semaphore(%arg17 : memref<!tpu.dma_semaphore, #tpu.memory_space<semaphore_mem>>)
    %add3A_18 = arith.constant 112 : i32
    %add3A_19 = arith.addi %mul3A_10, %add3A_18 : i32
    %dma_start3A_20 = tpu.memref_slice %arg2[%add3A_19] : memref<322560xi32, #tpu.memory_space<hbm>> -> memref<112xi32, #tpu.memory_space<hbm>>
    %dma_start3A_21 = tpu.memref_slice %arg2[%add3A_19] : memref<322560xi32, #tpu.memory_space<hbm>> -> memref<112xi32, #tpu.memory_space<hbm>>
    tpu.enqueue_dma source(%dma_start3A_21 : memref<112xi32, #tpu.memory_space<hbm>>) target(%arg8 : memref<112xi32, #tpu.memory_space<vmem>>) target_semaphore(%arg18 : memref<!tpu.dma_semaphore, #tpu.memory_space<semaphore_mem>>)
    %dma_start3A_22 = tpu.memref_slice %arg3[%add3A_19] : memref<322560xi32, #tpu.memory_space<hbm>> -> memref<112xi32, #tpu.memory_space<hbm>>
    %dma_start3A_23 = tpu.memref_slice %arg3[%add3A_19] : memref<322560xi32, #tpu.memory_space<hbm>> -> memref<112xi32, #tpu.memory_space<hbm>>
    tpu.enqueue_dma source(%dma_start3A_23 : memref<112xi32, #tpu.memory_space<hbm>>) target(%arg11 : memref<112xi32, #tpu.memory_space<vmem>>) target_semaphore(%arg18 : memref<!tpu.dma_semaphore, #tpu.memory_space<semaphore_mem>>)
    %add3A_24 = arith.constant 224 : i32
    %add3A_25 = arith.addi %mul3A_10, %add3A_24 : i32
    %dma_start3A_26 = tpu.memref_slice %arg2[%add3A_25] : memref<322560xi32, #tpu.memory_space<hbm>> -> memref<112xi32, #tpu.memory_space<hbm>>
    %dma_start3A_27 = tpu.memref_slice %arg2[%add3A_25] : memref<322560xi32, #tpu.memory_space<hbm>> -> memref<112xi32, #tpu.memory_space<hbm>>
    tpu.enqueue_dma source(%dma_start3A_27 : memref<112xi32, #tpu.memory_space<hbm>>) target(%arg9 : memref<112xi32, #tpu.memory_space<vmem>>) target_semaphore(%arg19 : memref<!tpu.dma_semaphore, #tpu.memory_space<semaphore_mem>>)
    %dma_start3A_28 = tpu.memref_slice %arg3[%add3A_25] : memref<322560xi32, #tpu.memory_space<hbm>> -> memref<112xi32, #tpu.memory_space<hbm>>
    %dma_start3A_29 = tpu.memref_slice %arg3[%add3A_25] : memref<322560xi32, #tpu.memory_space<hbm>> -> memref<112xi32, #tpu.memory_space<hbm>>
    tpu.enqueue_dma source(%dma_start3A_29 : memref<112xi32, #tpu.memory_space<hbm>>) target(%arg12 : memref<112xi32, #tpu.memory_space<vmem>>) target_semaphore(%arg19 : memref<!tpu.dma_semaphore, #tpu.memory_space<semaphore_mem>>)
    %jit3A_30 = arith.constant 3 : i32
    %div3A = arith.divsi %select_n3A, %jit3A_30 : i32
    %sign3A = arith.constant 0 : i32
    %sign3A_31 = arith.cmpi sgt, %select_n3A, %sign3A : i32
    %sign3A_32 = arith.extui %sign3A_31 : i1 to i32
    %sign3A_33 = arith.constant 0 : i32
    %sign3A_34 = arith.cmpi slt, %select_n3A, %sign3A_33 : i32
    %sign3A_35 = arith.extui %sign3A_34 : i1 to i32
    %sign3A_36 = arith.subi %sign3A_32, %sign3A_35 : i32
    %sign3A_37 = arith.constant 0 : i32
    %sign3A_38 = arith.cmpi sgt, %jit3A_30, %sign3A_37 : i32
    %sign3A_39 = arith.extui %sign3A_38 : i1 to i32
    %sign3A_40 = arith.constant 0 : i32
    %sign3A_41 = arith.cmpi slt, %jit3A_30, %sign3A_40 : i32
    %sign3A_42 = arith.extui %sign3A_41 : i1 to i32
    %sign3A_43 = arith.subi %sign3A_39, %sign3A_42 : i32
    %ne3A = arith.cmpi ne, %sign3A_36, %sign3A_43 : i32
    %rem3A = arith.remsi %select_n3A, %jit3A_30 : i32
    %ne3A_44 = arith.constant 0 : i32
    %ne3A_45 = arith.cmpi ne, %rem3A, %ne3A_44 : i32
    %and3A = arith.andi %ne3A, %ne3A_45 : i1
    %sub3A = arith.constant 1 : i32
    %sub3A_46 = arith.subi %div3A, %sub3A : i32
    %select_n3A_47 = arith.select %and3A, %sub3A_46, %div3A : i32
    %while3A = arith.constant 0 : i32
    %while3A_48 = arith.constant 0 : i32
    %while3A_49 = arith.subi %select_n3A_47, %while3A_48 : i32
    %while3A_50 = arith.addi %while3A_48, %while3A_49 : i32
    %while3A_51 = arith.constant 1 : i32
    %while3A_52 = arith.divsi %while3A_49, %while3A_51 : i32
    %while3A_53 = arith.muli %while3A_52, %while3A_51 : i32
    %while3A_54 = arith.addi %while3A_48, %while3A_53 : i32
    %while3A_55 = arith.constant 1 : i32
    scf.for %while3A_62 = %while3A_48 to %while3A_54 step %while3A_55  : i32 {
      %mul3A_63 = arith.constant 3 : i32
      %mul3A_64 = arith.muli %mul3A_63, %while3A_62 : i32
      %dma_wait3A = arith.constant 0 : i32
      %dma_wait3A_65 = tpu.memref_slice %arg2[%dma_wait3A] : memref<322560xi32, #tpu.memory_space<hbm>> -> memref<112xi32, #tpu.memory_space<hbm>>
      %dma_wait3A_66 = arith.constant 0 : i32
      %dma_wait3A_67 = tpu.memref_slice %arg2[%dma_wait3A_66] : memref<322560xi32, #tpu.memory_space<hbm>> -> memref<112xi32, #tpu.memory_space<hbm>>
      tpu.wait_dma2 semaphore(%arg17 : memref<!tpu.dma_semaphore, #tpu.memory_space<semaphore_mem>>) src(%dma_wait3A_67 : memref<112xi32, #tpu.memory_space<hbm>>) dst(%arg7 : memref<112xi32, #tpu.memory_space<vmem>>)
      %dma_wait3A_68 = arith.constant 0 : i32
      %dma_wait3A_69 = tpu.memref_slice %arg3[%dma_wait3A_68] : memref<322560xi32, #tpu.memory_space<hbm>> -> memref<112xi32, #tpu.memory_space<hbm>>
      %dma_wait3A_70 = arith.constant 0 : i32
      %dma_wait3A_71 = tpu.memref_slice %arg3[%dma_wait3A_70] : memref<322560xi32, #tpu.memory_space<hbm>> -> memref<112xi32, #tpu.memory_space<hbm>>
      tpu.wait_dma2 semaphore(%arg17 : memref<!tpu.dma_semaphore, #tpu.memory_space<semaphore_mem>>) src(%dma_wait3A_71 : memref<112xi32, #tpu.memory_space<hbm>>) dst(%arg10 : memref<112xi32, #tpu.memory_space<vmem>>)
      %dma_start3A_72 = arith.constant 0 : i32
      %dma_start3A_73 = arith.constant 0 : i32
      %dma_start3A_74 = tpu.memref_slice %arg4[%dma_start3A_72, %dma_start3A_73] : memref<10240x128xf32, #tpu.memory_space<hbm>> -> memref<10240x128xf32, #tpu.memory_space<hbm>>
      tpu.enqueue_indirect_dma source(%dma_start3A_74 : memref<10240x128xf32, #tpu.memory_space<hbm>>) target(%arg13 : memref<112x128xf32, #tpu.memory_space<vmem>>) offsets(%arg7 : memref<112xi32, #tpu.memory_space<vmem>>) semaphore(%arg20 : memref<!tpu.dma_semaphore, #tpu.memory_space<semaphore_mem>>)
      %dma_wait3A_75 = arith.constant 0 : i32
      %dma_wait3A_76 = tpu.memref_slice %arg2[%dma_wait3A_75] : memref<322560xi32, #tpu.memory_space<hbm>> -> memref<112xi32, #tpu.memory_space<hbm>>
      %dma_wait3A_77 = arith.constant 0 : i32
      %dma_wait3A_78 = tpu.memref_slice %arg2[%dma_wait3A_77] : memref<322560xi32, #tpu.memory_space<hbm>> -> memref<112xi32, #tpu.memory_space<hbm>>
      tpu.wait_dma2 semaphore(%arg18 : memref<!tpu.dma_semaphore, #tpu.memory_space<semaphore_mem>>) src(%dma_wait3A_78 : memref<112xi32, #tpu.memory_space<hbm>>) dst(%arg8 : memref<112xi32, #tpu.memory_space<vmem>>)
      %dma_wait3A_79 = arith.constant 0 : i32
      %dma_wait3A_80 = tpu.memref_slice %arg3[%dma_wait3A_79] : memref<322560xi32, #tpu.memory_space<hbm>> -> memref<112xi32, #tpu.memory_space<hbm>>
      %dma_wait3A_81 = arith.constant 0 : i32
      %dma_wait3A_82 = tpu.memref_slice %arg3[%dma_wait3A_81] : memref<322560xi32, #tpu.memory_space<hbm>> -> memref<112xi32, #tpu.memory_space<hbm>>
      tpu.wait_dma2 semaphore(%arg18 : memref<!tpu.dma_semaphore, #tpu.memory_space<semaphore_mem>>) src(%dma_wait3A_82 : memref<112xi32, #tpu.memory_space<hbm>>) dst(%arg11 : memref<112xi32, #tpu.memory_space<vmem>>)
      %dma_start3A_83 = arith.constant 0 : i32
      %dma_start3A_84 = arith.constant 0 : i32
      %dma_start3A_85 = tpu.memref_slice %arg4[%dma_start3A_83, %dma_start3A_84] : memref<10240x128xf32, #tpu.memory_space<hbm>> -> memref<10240x128xf32, #tpu.memory_space<hbm>>
      tpu.enqueue_indirect_dma source(%dma_start3A_85 : memref<10240x128xf32, #tpu.memory_space<hbm>>) target(%arg14 : memref<112x128xf32, #tpu.memory_space<vmem>>) offsets(%arg8 : memref<112xi32, #tpu.memory_space<vmem>>) semaphore(%arg21 : memref<!tpu.dma_semaphore, #tpu.memory_space<semaphore_mem>>)
      %dma_wait3A_86 = arith.constant 0 : i32
      %dma_wait3A_87 = tpu.memref_slice %arg2[%dma_wait3A_86] : memref<322560xi32, #tpu.memory_space<hbm>> -> memref<112xi32, #tpu.memory_space<hbm>>
      %dma_wait3A_88 = arith.constant 0 : i32
      %dma_wait3A_89 = tpu.memref_slice %arg2[%dma_wait3A_88] : memref<322560xi32, #tpu.memory_space<hbm>> -> memref<112xi32, #tpu.memory_space<hbm>>
      tpu.wait_dma2 semaphore(%arg19 : memref<!tpu.dma_semaphore, #tpu.memory_space<semaphore_mem>>) src(%dma_wait3A_89 : memref<112xi32, #tpu.memory_space<hbm>>) dst(%arg9 : memref<112xi32, #tpu.memory_space<vmem>>)
      %dma_wait3A_90 = arith.constant 0 : i32
      %dma_wait3A_91 = tpu.memref_slice %arg3[%dma_wait3A_90] : memref<322560xi32, #tpu.memory_space<hbm>> -> memref<112xi32, #tpu.memory_space<hbm>>
      %dma_wait3A_92 = arith.constant 0 : i32
      %dma_wait3A_93 = tpu.memref_slice %arg3[%dma_wait3A_92] : memref<322560xi32, #tpu.memory_space<hbm>> -> memref<112xi32, #tpu.memory_space<hbm>>
      tpu.wait_dma2 semaphore(%arg19 : memref<!tpu.dma_semaphore, #tpu.memory_space<semaphore_mem>>) src(%dma_wait3A_93 : memref<112xi32, #tpu.memory_space<hbm>>) dst(%arg12 : memref<112xi32, #tpu.memory_space<vmem>>)
      %dma_start3A_94 = arith.constant 0 : i32
      %dma_start3A_95 = arith.constant 0 : i32
      %dma_start3A_96 = tpu.memref_slice %arg4[%dma_start3A_94, %dma_start3A_95] : memref<10240x128xf32, #tpu.memory_space<hbm>> -> memref<10240x128xf32, #tpu.memory_space<hbm>>
      tpu.enqueue_indirect_dma source(%dma_start3A_96 : memref<10240x128xf32, #tpu.memory_space<hbm>>) target(%arg15 : memref<112x128xf32, #tpu.memory_space<vmem>>) offsets(%arg9 : memref<112xi32, #tpu.memory_space<vmem>>) semaphore(%arg22 : memref<!tpu.dma_semaphore, #tpu.memory_space<semaphore_mem>>)
      %dma_wait3A_97 = arith.constant 0 : i32
      %dma_wait3A_98 = arith.constant 0 : i32
      %dma_wait3A_99 = tpu.memref_slice %arg4[%dma_wait3A_97, %dma_wait3A_98] : memref<10240x128xf32, #tpu.memory_space<hbm>> -> memref<10240x128xf32, #tpu.memory_space<hbm>>
      tpu.wait_indirect_dma semaphore(%arg20 : memref<!tpu.dma_semaphore, #tpu.memory_space<semaphore_mem>>) src(%dma_wait3A_99 : memref<10240x128xf32, #tpu.memory_space<hbm>>) dst(%arg13 : memref<112x128xf32, #tpu.memory_space<vmem>>)
      %dma_start3A_100 = arith.constant 0 : i32
      %dma_start3A_101 = arith.constant 0 : i32
      %dma_start3A_102 = tpu.memref_slice %arg16[%dma_start3A_100, %dma_start3A_101] : memref<10240x128xf32, #tpu.memory_space<vmem_shared>> -> memref<10240x128xf32, #tpu.memory_space<vmem_shared>>
      tpu.enqueue_indirect_dma source(%arg13 : memref<112x128xf32, #tpu.memory_space<vmem>>) target(%dma_start3A_102 : memref<10240x128xf32, #tpu.memory_space<vmem_shared>>) offsets(%arg10 : memref<112xi32, #tpu.memory_space<vmem>>) semaphore(%arg23 : memref<!tpu.dma_semaphore, #tpu.memory_space<semaphore_mem>>) {add = true}
      %dma_wait3A_103 = arith.constant 0 : i32
      %dma_wait3A_104 = arith.constant 0 : i32
      %dma_wait3A_105 = tpu.memref_slice %arg4[%dma_wait3A_103, %dma_wait3A_104] : memref<10240x128xf32, #tpu.memory_space<hbm>> -> memref<10240x128xf32, #tpu.memory_space<hbm>>
      tpu.wait_indirect_dma semaphore(%arg21 : memref<!tpu.dma_semaphore, #tpu.memory_space<semaphore_mem>>) src(%dma_wait3A_105 : memref<10240x128xf32, #tpu.memory_space<hbm>>) dst(%arg14 : memref<112x128xf32, #tpu.memory_space<vmem>>)
      %dma_start3A_106 = arith.constant 0 : i32
      %dma_start3A_107 = arith.constant 0 : i32
      %dma_start3A_108 = tpu.memref_slice %arg16[%dma_start3A_106, %dma_start3A_107] : memref<10240x128xf32, #tpu.memory_space<vmem_shared>> -> memref<10240x128xf32, #tpu.memory_space<vmem_shared>>
      tpu.enqueue_indirect_dma source(%arg14 : memref<112x128xf32, #tpu.memory_space<vmem>>) target(%dma_start3A_108 : memref<10240x128xf32, #tpu.memory_space<vmem_shared>>) offsets(%arg11 : memref<112xi32, #tpu.memory_space<vmem>>) semaphore(%arg24 : memref<!tpu.dma_semaphore, #tpu.memory_space<semaphore_mem>>) {add = true}
      %dma_wait3A_109 = arith.constant 0 : i32
      %dma_wait3A_110 = arith.constant 0 : i32
      %dma_wait3A_111 = tpu.memref_slice %arg4[%dma_wait3A_109, %dma_wait3A_110] : memref<10240x128xf32, #tpu.memory_space<hbm>> -> memref<10240x128xf32, #tpu.memory_space<hbm>>
      tpu.wait_indirect_dma semaphore(%arg22 : memref<!tpu.dma_semaphore, #tpu.memory_space<semaphore_mem>>) src(%dma_wait3A_111 : memref<10240x128xf32, #tpu.memory_space<hbm>>) dst(%arg15 : memref<112x128xf32, #tpu.memory_space<vmem>>)
      %dma_start3A_112 = arith.constant 0 : i32
      %dma_start3A_113 = arith.constant 0 : i32
      %dma_start3A_114 = tpu.memref_slice %arg16[%dma_start3A_112, %dma_start3A_113] : memref<10240x128xf32, #tpu.memory_space<vmem_shared>> -> memref<10240x128xf32, #tpu.memory_space<vmem_shared>>
      tpu.enqueue_indirect_dma source(%arg15 : memref<112x128xf32, #tpu.memory_space<vmem>>) target(%dma_start3A_114 : memref<10240x128xf32, #tpu.memory_space<vmem_shared>>) offsets(%arg12 : memref<112xi32, #tpu.memory_space<vmem>>) semaphore(%arg25 : memref<!tpu.dma_semaphore, #tpu.memory_space<semaphore_mem>>) {add = true}
      %dma_wait3A_115 = arith.constant 0 : i32
      %dma_wait3A_116 = arith.constant 0 : i32
      %dma_wait3A_117 = tpu.memref_slice %arg16[%dma_wait3A_115, %dma_wait3A_116] : memref<10240x128xf32, #tpu.memory_space<vmem_shared>> -> memref<10240x128xf32, #tpu.memory_space<vmem_shared>>
      tpu.wait_indirect_dma semaphore(%arg23 : memref<!tpu.dma_semaphore, #tpu.memory_space<semaphore_mem>>) src(%arg13 : memref<112x128xf32, #tpu.memory_space<vmem>>) dst(%dma_wait3A_117 : memref<10240x128xf32, #tpu.memory_space<vmem_shared>>)
      %add3A_118 = arith.constant 3 : i32
      %add3A_119 = arith.addi %mul3A_64, %add3A_118 : i32
      %add3A_120 = arith.constant 0 : i32
      %add3A_121 = arith.addi %add3A_119, %add3A_120 : i32
      %lt3A = arith.cmpi slt, %add3A_121, %select_n3A : i32
      %convert_element_type3A = arith.extui %lt3A : i1 to i32
      %cond3A = arith.constant 0 : i32
      %cond3A_122 = arith.cmpi ne, %convert_element_type3A, %cond3A : i32
      scf.if %cond3A_122 {
        %add3A_145 = arith.constant 3 : i32
        %add3A_146 = arith.addi %mul3A_64, %add3A_145 : i32
        %add3A_147 = arith.constant 0 : i32
        %add3A_148 = arith.addi %add3A_146, %add3A_147 : i32
        %mul3A_149 = arith.constant 112 : i32
        %mul3A_150 = arith.muli %add3A_148, %mul3A_149 : i32
        %add3A_151 = arith.addi %mul3A_10, %mul3A_150 : i32
        %dma_start3A_152 = tpu.memref_slice %arg2[%add3A_151] : memref<322560xi32, #tpu.memory_space<hbm>> -> memref<112xi32, #tpu.memory_space<hbm>>
        %dma_start3A_153 = tpu.memref_slice %arg2[%add3A_151] : memref<322560xi32, #tpu.memory_space<hbm>> -> memref<112xi32, #tpu.memory_space<hbm>>
        tpu.enqueue_dma source(%dma_start3A_153 : memref<112xi32, #tpu.memory_space<hbm>>) target(%arg7 : memref<112xi32, #tpu.memory_space<vmem>>) target_semaphore(%arg17 : memref<!tpu.dma_semaphore, #tpu.memory_space<semaphore_mem>>)
        %dma_start3A_154 = tpu.memref_slice %arg3[%add3A_151] : memref<322560xi32, #tpu.memory_space<hbm>> -> memref<112xi32, #tpu.memory_space<hbm>>
        %dma_start3A_155 = tpu.memref_slice %arg3[%add3A_151] : memref<322560xi32, #tpu.memory_space<hbm>> -> memref<112xi32, #tpu.memory_space<hbm>>
        tpu.enqueue_dma source(%dma_start3A_155 : memref<112xi32, #tpu.memory_space<hbm>>) target(%arg10 : memref<112xi32, #tpu.memory_space<vmem>>) target_semaphore(%arg17 : memref<!tpu.dma_semaphore, #tpu.memory_space<semaphore_mem>>)
      } else {
      }
      %dma_wait3A_123 = arith.constant 0 : i32
      %dma_wait3A_124 = arith.constant 0 : i32
      %dma_wait3A_125 = tpu.memref_slice %arg16[%dma_wait3A_123, %dma_wait3A_124] : memref<10240x128xf32, #tpu.memory_space<vmem_shared>> -> memref<10240x128xf32, #tpu.memory_space<vmem_shared>>
      tpu.wait_indirect_dma semaphore(%arg24 : memref<!tpu.dma_semaphore, #tpu.memory_space<semaphore_mem>>) src(%arg14 : memref<112x128xf32, #tpu.memory_space<vmem>>) dst(%dma_wait3A_125 : memref<10240x128xf32, #tpu.memory_space<vmem_shared>>)
      %add3A_126 = arith.constant 3 : i32
      %add3A_127 = arith.addi %mul3A_64, %add3A_126 : i32
      %add3A_128 = arith.constant 1 : i32
      %add3A_129 = arith.addi %add3A_127, %add3A_128 : i32
      %lt3A_130 = arith.cmpi slt, %add3A_129, %select_n3A : i32
      %convert_element_type3A_131 = arith.extui %lt3A_130 : i1 to i32
      %cond3A_132 = arith.constant 0 : i32
      %cond3A_133 = arith.cmpi ne, %convert_element_type3A_131, %cond3A_132 : i32
      scf.if %cond3A_133 {
        %add3A_145 = arith.constant 3 : i32
        %add3A_146 = arith.addi %mul3A_64, %add3A_145 : i32
        %add3A_147 = arith.constant 1 : i32
        %add3A_148 = arith.addi %add3A_146, %add3A_147 : i32
        %mul3A_149 = arith.constant 112 : i32
        %mul3A_150 = arith.muli %add3A_148, %mul3A_149 : i32
        %add3A_151 = arith.addi %mul3A_10, %mul3A_150 : i32
        %dma_start3A_152 = tpu.memref_slice %arg2[%add3A_151] : memref<322560xi32, #tpu.memory_space<hbm>> -> memref<112xi32, #tpu.memory_space<hbm>>
        %dma_start3A_153 = tpu.memref_slice %arg2[%add3A_151] : memref<322560xi32, #tpu.memory_space<hbm>> -> memref<112xi32, #tpu.memory_space<hbm>>
        tpu.enqueue_dma source(%dma_start3A_153 : memref<112xi32, #tpu.memory_space<hbm>>) target(%arg8 : memref<112xi32, #tpu.memory_space<vmem>>) target_semaphore(%arg18 : memref<!tpu.dma_semaphore, #tpu.memory_space<semaphore_mem>>)
        %dma_start3A_154 = tpu.memref_slice %arg3[%add3A_151] : memref<322560xi32, #tpu.memory_space<hbm>> -> memref<112xi32, #tpu.memory_space<hbm>>
        %dma_start3A_155 = tpu.memref_slice %arg3[%add3A_151] : memref<322560xi32, #tpu.memory_space<hbm>> -> memref<112xi32, #tpu.memory_space<hbm>>
        tpu.enqueue_dma source(%dma_start3A_155 : memref<112xi32, #tpu.memory_space<hbm>>) target(%arg11 : memref<112xi32, #tpu.memory_space<vmem>>) target_semaphore(%arg18 : memref<!tpu.dma_semaphore, #tpu.memory_space<semaphore_mem>>)
      } else {
      }
      %dma_wait3A_134 = arith.constant 0 : i32
      %dma_wait3A_135 = arith.constant 0 : i32
      %dma_wait3A_136 = tpu.memref_slice %arg16[%dma_wait3A_134, %dma_wait3A_135] : memref<10240x128xf32, #tpu.memory_space<vmem_shared>> -> memref<10240x128xf32, #tpu.memory_space<vmem_shared>>
      tpu.wait_indirect_dma semaphore(%arg25 : memref<!tpu.dma_semaphore, #tpu.memory_space<semaphore_mem>>) src(%arg15 : memref<112x128xf32, #tpu.memory_space<vmem>>) dst(%dma_wait3A_136 : memref<10240x128xf32, #tpu.memory_space<vmem_shared>>)
      %add3A_137 = arith.constant 3 : i32
      %add3A_138 = arith.addi %mul3A_64, %add3A_137 : i32
      %add3A_139 = arith.constant 2 : i32
      %add3A_140 = arith.addi %add3A_138, %add3A_139 : i32
      %lt3A_141 = arith.cmpi slt, %add3A_140, %select_n3A : i32
      %convert_element_type3A_142 = arith.extui %lt3A_141 : i1 to i32
      %cond3A_143 = arith.constant 0 : i32
      %cond3A_144 = arith.cmpi ne, %convert_element_type3A_142, %cond3A_143 : i32
      scf.if %cond3A_144 {
        %add3A_145 = arith.constant 3 : i32
        %add3A_146 = arith.addi %mul3A_64, %add3A_145 : i32
        %add3A_147 = arith.constant 2 : i32
        %add3A_148 = arith.addi %add3A_146, %add3A_147 : i32
        %mul3A_149 = arith.constant 112 : i32
        %mul3A_150 = arith.muli %add3A_148, %mul3A_149 : i32
        %add3A_151 = arith.addi %mul3A_10, %mul3A_150 : i32
        %dma_start3A_152 = tpu.memref_slice %arg2[%add3A_151] : memref<322560xi32, #tpu.memory_space<hbm>> -> memref<112xi32, #tpu.memory_space<hbm>>
        %dma_start3A_153 = tpu.memref_slice %arg2[%add3A_151] : memref<322560xi32, #tpu.memory_space<hbm>> -> memref<112xi32, #tpu.memory_space<hbm>>
        tpu.enqueue_dma source(%dma_start3A_153 : memref<112xi32, #tpu.memory_space<hbm>>) target(%arg9 : memref<112xi32, #tpu.memory_space<vmem>>) target_semaphore(%arg19 : memref<!tpu.dma_semaphore, #tpu.memory_space<semaphore_mem>>)
        %dma_start3A_154 = tpu.memref_slice %arg3[%add3A_151] : memref<322560xi32, #tpu.memory_space<hbm>> -> memref<112xi32, #tpu.memory_space<hbm>>
        %dma_start3A_155 = tpu.memref_slice %arg3[%add3A_151] : memref<322560xi32, #tpu.memory_space<hbm>> -> memref<112xi32, #tpu.memory_space<hbm>>
        tpu.enqueue_dma source(%dma_start3A_155 : memref<112xi32, #tpu.memory_space<hbm>>) target(%arg12 : memref<112xi32, #tpu.memory_space<vmem>>) target_semaphore(%arg19 : memref<!tpu.dma_semaphore, #tpu.memory_space<semaphore_mem>>)
      } else {
      }
    }
    %while3A_56 = arith.constant 1 : i32
    scf.for %while3A_62 = %while3A_54 to %while3A_50 step %while3A_56  : i32 {
      %mul3A_63 = arith.constant 3 : i32
      %mul3A_64 = arith.muli %mul3A_63, %while3A_62 : i32
      %dma_wait3A = arith.constant 0 : i32
      %dma_wait3A_65 = tpu.memref_slice %arg2[%dma_wait3A] : memref<322560xi32, #tpu.memory_space<hbm>> -> memref<112xi32, #tpu.memory_space<hbm>>
      %dma_wait3A_66 = arith.constant 0 : i32
      %dma_wait3A_67 = tpu.memref_slice %arg2[%dma_wait3A_66] : memref<322560xi32, #tpu.memory_space<hbm>> -> memref<112xi32, #tpu.memory_space<hbm>>
      tpu.wait_dma2 semaphore(%arg17 : memref<!tpu.dma_semaphore, #tpu.memory_space<semaphore_mem>>) src(%dma_wait3A_67 : memref<112xi32, #tpu.memory_space<hbm>>) dst(%arg7 : memref<112xi32, #tpu.memory_space<vmem>>)
      %dma_wait3A_68 = arith.constant 0 : i32
      %dma_wait3A_69 = tpu.memref_slice %arg3[%dma_wait3A_68] : memref<322560xi32, #tpu.memory_space<hbm>> -> memref<112xi32, #tpu.memory_space<hbm>>
      %dma_wait3A_70 = arith.constant 0 : i32
      %dma_wait3A_71 = tpu.memref_slice %arg3[%dma_wait3A_70] : memref<322560xi32, #tpu.memory_space<hbm>> -> memref<112xi32, #tpu.memory_space<hbm>>
      tpu.wait_dma2 semaphore(%arg17 : memref<!tpu.dma_semaphore, #tpu.memory_space<semaphore_mem>>) src(%dma_wait3A_71 : memref<112xi32, #tpu.memory_space<hbm>>) dst(%arg10 : memref<112xi32, #tpu.memory_space<vmem>>)
      %dma_start3A_72 = arith.constant 0 : i32
      %dma_start3A_73 = arith.constant 0 : i32
      %dma_start3A_74 = tpu.memref_slice %arg4[%dma_start3A_72, %dma_start3A_73] : memref<10240x128xf32, #tpu.memory_space<hbm>> -> memref<10240x128xf32, #tpu.memory_space<hbm>>
      tpu.enqueue_indirect_dma source(%dma_start3A_74 : memref<10240x128xf32, #tpu.memory_space<hbm>>) target(%arg13 : memref<112x128xf32, #tpu.memory_space<vmem>>) offsets(%arg7 : memref<112xi32, #tpu.memory_space<vmem>>) semaphore(%arg20 : memref<!tpu.dma_semaphore, #tpu.memory_space<semaphore_mem>>)
      %dma_wait3A_75 = arith.constant 0 : i32
      %dma_wait3A_76 = tpu.memref_slice %arg2[%dma_wait3A_75] : memref<322560xi32, #tpu.memory_space<hbm>> -> memref<112xi32, #tpu.memory_space<hbm>>
      %dma_wait3A_77 = arith.constant 0 : i32
      %dma_wait3A_78 = tpu.memref_slice %arg2[%dma_wait3A_77] : memref<322560xi32, #tpu.memory_space<hbm>> -> memref<112xi32, #tpu.memory_space<hbm>>
      tpu.wait_dma2 semaphore(%arg18 : memref<!tpu.dma_semaphore, #tpu.memory_space<semaphore_mem>>) src(%dma_wait3A_78 : memref<112xi32, #tpu.memory_space<hbm>>) dst(%arg8 : memref<112xi32, #tpu.memory_space<vmem>>)
      %dma_wait3A_79 = arith.constant 0 : i32
      %dma_wait3A_80 = tpu.memref_slice %arg3[%dma_wait3A_79] : memref<322560xi32, #tpu.memory_space<hbm>> -> memref<112xi32, #tpu.memory_space<hbm>>
      %dma_wait3A_81 = arith.constant 0 : i32
      %dma_wait3A_82 = tpu.memref_slice %arg3[%dma_wait3A_81] : memref<322560xi32, #tpu.memory_space<hbm>> -> memref<112xi32, #tpu.memory_space<hbm>>
      tpu.wait_dma2 semaphore(%arg18 : memref<!tpu.dma_semaphore, #tpu.memory_space<semaphore_mem>>) src(%dma_wait3A_82 : memref<112xi32, #tpu.memory_space<hbm>>) dst(%arg11 : memref<112xi32, #tpu.memory_space<vmem>>)
      %dma_start3A_83 = arith.constant 0 : i32
      %dma_start3A_84 = arith.constant 0 : i32
      %dma_start3A_85 = tpu.memref_slice %arg4[%dma_start3A_83, %dma_start3A_84] : memref<10240x128xf32, #tpu.memory_space<hbm>> -> memref<10240x128xf32, #tpu.memory_space<hbm>>
      tpu.enqueue_indirect_dma source(%dma_start3A_85 : memref<10240x128xf32, #tpu.memory_space<hbm>>) target(%arg14 : memref<112x128xf32, #tpu.memory_space<vmem>>) offsets(%arg8 : memref<112xi32, #tpu.memory_space<vmem>>) semaphore(%arg21 : memref<!tpu.dma_semaphore, #tpu.memory_space<semaphore_mem>>)
      %dma_wait3A_86 = arith.constant 0 : i32
      %dma_wait3A_87 = tpu.memref_slice %arg2[%dma_wait3A_86] : memref<322560xi32, #tpu.memory_space<hbm>> -> memref<112xi32, #tpu.memory_space<hbm>>
      %dma_wait3A_88 = arith.constant 0 : i32
      %dma_wait3A_89 = tpu.memref_slice %arg2[%dma_wait3A_88] : memref<322560xi32, #tpu.memory_space<hbm>> -> memref<112xi32, #tpu.memory_space<hbm>>
      tpu.wait_dma2 semaphore(%arg19 : memref<!tpu.dma_semaphore, #tpu.memory_space<semaphore_mem>>) src(%dma_wait3A_89 : memref<112xi32, #tpu.memory_space<hbm>>) dst(%arg9 : memref<112xi32, #tpu.memory_space<vmem>>)
      %dma_wait3A_90 = arith.constant 0 : i32
      %dma_wait3A_91 = tpu.memref_slice %arg3[%dma_wait3A_90] : memref<322560xi32, #tpu.memory_space<hbm>> -> memref<112xi32, #tpu.memory_space<hbm>>
      %dma_wait3A_92 = arith.constant 0 : i32
      %dma_wait3A_93 = tpu.memref_slice %arg3[%dma_wait3A_92] : memref<322560xi32, #tpu.memory_space<hbm>> -> memref<112xi32, #tpu.memory_space<hbm>>
      tpu.wait_dma2 semaphore(%arg19 : memref<!tpu.dma_semaphore, #tpu.memory_space<semaphore_mem>>) src(%dma_wait3A_93 : memref<112xi32, #tpu.memory_space<hbm>>) dst(%arg12 : memref<112xi32, #tpu.memory_space<vmem>>)
      %dma_start3A_94 = arith.constant 0 : i32
      %dma_start3A_95 = arith.constant 0 : i32
      %dma_start3A_96 = tpu.memref_slice %arg4[%dma_start3A_94, %dma_start3A_95] : memref<10240x128xf32, #tpu.memory_space<hbm>> -> memref<10240x128xf32, #tpu.memory_space<hbm>>
      tpu.enqueue_indirect_dma source(%dma_start3A_96 : memref<10240x128xf32, #tpu.memory_space<hbm>>) target(%arg15 : memref<112x128xf32, #tpu.memory_space<vmem>>) offsets(%arg9 : memref<112xi32, #tpu.memory_space<vmem>>) semaphore(%arg22 : memref<!tpu.dma_semaphore, #tpu.memory_space<semaphore_mem>>)
      %dma_wait3A_97 = arith.constant 0 : i32
      %dma_wait3A_98 = arith.constant 0 : i32
      %dma_wait3A_99 = tpu.memref_slice %arg4[%dma_wait3A_97, %dma_wait3A_98] : memref<10240x128xf32, #tpu.memory_space<hbm>> -> memref<10240x128xf32, #tpu.memory_space<hbm>>
      tpu.wait_indirect_dma semaphore(%arg20 : memref<!tpu.dma_semaphore, #tpu.memory_space<semaphore_mem>>) src(%dma_wait3A_99 : memref<10240x128xf32, #tpu.memory_space<hbm>>) dst(%arg13 : memref<112x128xf32, #tpu.memory_space<vmem>>)
      %dma_start3A_100 = arith.constant 0 : i32
      %dma_start3A_101 = arith.constant 0 : i32
      %dma_start3A_102 = tpu.memref_slice %arg16[%dma_start3A_100, %dma_start3A_101] : memref<10240x128xf32, #tpu.memory_space<vmem_shared>> -> memref<10240x128xf32, #tpu.memory_space<vmem_shared>>
      tpu.enqueue_indirect_dma source(%arg13 : memref<112x128xf32, #tpu.memory_space<vmem>>) target(%dma_start3A_102 : memref<10240x128xf32, #tpu.memory_space<vmem_shared>>) offsets(%arg10 : memref<112xi32, #tpu.memory_space<vmem>>) semaphore(%arg23 : memref<!tpu.dma_semaphore, #tpu.memory_space<semaphore_mem>>) {add = true}
      %dma_wait3A_103 = arith.constant 0 : i32
      %dma_wait3A_104 = arith.constant 0 : i32
      %dma_wait3A_105 = tpu.memref_slice %arg4[%dma_wait3A_103, %dma_wait3A_104] : memref<10240x128xf32, #tpu.memory_space<hbm>> -> memref<10240x128xf32, #tpu.memory_space<hbm>>
      tpu.wait_indirect_dma semaphore(%arg21 : memref<!tpu.dma_semaphore, #tpu.memory_space<semaphore_mem>>) src(%dma_wait3A_105 : memref<10240x128xf32, #tpu.memory_space<hbm>>) dst(%arg14 : memref<112x128xf32, #tpu.memory_space<vmem>>)
      %dma_start3A_106 = arith.constant 0 : i32
      %dma_start3A_107 = arith.constant 0 : i32
      %dma_start3A_108 = tpu.memref_slice %arg16[%dma_start3A_106, %dma_start3A_107] : memref<10240x128xf32, #tpu.memory_space<vmem_shared>> -> memref<10240x128xf32, #tpu.memory_space<vmem_shared>>
      tpu.enqueue_indirect_dma source(%arg14 : memref<112x128xf32, #tpu.memory_space<vmem>>) target(%dma_start3A_108 : memref<10240x128xf32, #tpu.memory_space<vmem_shared>>) offsets(%arg11 : memref<112xi32, #tpu.memory_space<vmem>>) semaphore(%arg24 : memref<!tpu.dma_semaphore, #tpu.memory_space<semaphore_mem>>) {add = true}
      %dma_wait3A_109 = arith.constant 0 : i32
      %dma_wait3A_110 = arith.constant 0 : i32
      %dma_wait3A_111 = tpu.memref_slice %arg4[%dma_wait3A_109, %dma_wait3A_110] : memref<10240x128xf32, #tpu.memory_space<hbm>> -> memref<10240x128xf32, #tpu.memory_space<hbm>>
      tpu.wait_indirect_dma semaphore(%arg22 : memref<!tpu.dma_semaphore, #tpu.memory_space<semaphore_mem>>) src(%dma_wait3A_111 : memref<10240x128xf32, #tpu.memory_space<hbm>>) dst(%arg15 : memref<112x128xf32, #tpu.memory_space<vmem>>)
      %dma_start3A_112 = arith.constant 0 : i32
      %dma_start3A_113 = arith.constant 0 : i32
      %dma_start3A_114 = tpu.memref_slice %arg16[%dma_start3A_112, %dma_start3A_113] : memref<10240x128xf32, #tpu.memory_space<vmem_shared>> -> memref<10240x128xf32, #tpu.memory_space<vmem_shared>>
      tpu.enqueue_indirect_dma source(%arg15 : memref<112x128xf32, #tpu.memory_space<vmem>>) target(%dma_start3A_114 : memref<10240x128xf32, #tpu.memory_space<vmem_shared>>) offsets(%arg12 : memref<112xi32, #tpu.memory_space<vmem>>) semaphore(%arg25 : memref<!tpu.dma_semaphore, #tpu.memory_space<semaphore_mem>>) {add = true}
      %dma_wait3A_115 = arith.constant 0 : i32
      %dma_wait3A_116 = arith.constant 0 : i32
      %dma_wait3A_117 = tpu.memref_slice %arg16[%dma_wait3A_115, %dma_wait3A_116] : memref<10240x128xf32, #tpu.memory_space<vmem_shared>> -> memref<10240x128xf32, #tpu.memory_space<vmem_shared>>
      tpu.wait_indirect_dma semaphore(%arg23 : memref<!tpu.dma_semaphore, #tpu.memory_space<semaphore_mem>>) src(%arg13 : memref<112x128xf32, #tpu.memory_space<vmem>>) dst(%dma_wait3A_117 : memref<10240x128xf32, #tpu.memory_space<vmem_shared>>)
      %add3A_118 = arith.constant 3 : i32
      %add3A_119 = arith.addi %mul3A_64, %add3A_118 : i32
      %add3A_120 = arith.constant 0 : i32
      %add3A_121 = arith.addi %add3A_119, %add3A_120 : i32
      %lt3A = arith.cmpi slt, %add3A_121, %select_n3A : i32
      %convert_element_type3A = arith.extui %lt3A : i1 to i32
      %cond3A = arith.constant 0 : i32
      %cond3A_122 = arith.cmpi ne, %convert_element_type3A, %cond3A : i32
      scf.if %cond3A_122 {
        %add3A_145 = arith.constant 3 : i32
        %add3A_146 = arith.addi %mul3A_64, %add3A_145 : i32
        %add3A_147 = arith.constant 0 : i32
        %add3A_148 = arith.addi %add3A_146, %add3A_147 : i32
        %mul3A_149 = arith.constant 112 : i32
        %mul3A_150 = arith.muli %add3A_148, %mul3A_149 : i32
        %add3A_151 = arith.addi %mul3A_10, %mul3A_150 : i32
        %dma_start3A_152 = tpu.memref_slice %arg2[%add3A_151] : memref<322560xi32, #tpu.memory_space<hbm>> -> memref<112xi32, #tpu.memory_space<hbm>>
        %dma_start3A_153 = tpu.memref_slice %arg2[%add3A_151] : memref<322560xi32, #tpu.memory_space<hbm>> -> memref<112xi32, #tpu.memory_space<hbm>>
        tpu.enqueue_dma source(%dma_start3A_153 : memref<112xi32, #tpu.memory_space<hbm>>) target(%arg7 : memref<112xi32, #tpu.memory_space<vmem>>) target_semaphore(%arg17 : memref<!tpu.dma_semaphore, #tpu.memory_space<semaphore_mem>>)
        %dma_start3A_154 = tpu.memref_slice %arg3[%add3A_151] : memref<322560xi32, #tpu.memory_space<hbm>> -> memref<112xi32, #tpu.memory_space<hbm>>
        %dma_start3A_155 = tpu.memref_slice %arg3[%add3A_151] : memref<322560xi32, #tpu.memory_space<hbm>> -> memref<112xi32, #tpu.memory_space<hbm>>
        tpu.enqueue_dma source(%dma_start3A_155 : memref<112xi32, #tpu.memory_space<hbm>>) target(%arg10 : memref<112xi32, #tpu.memory_space<vmem>>) target_semaphore(%arg17 : memref<!tpu.dma_semaphore, #tpu.memory_space<semaphore_mem>>)
      } else {
      }
      %dma_wait3A_123 = arith.constant 0 : i32
      %dma_wait3A_124 = arith.constant 0 : i32
      %dma_wait3A_125 = tpu.memref_slice %arg16[%dma_wait3A_123, %dma_wait3A_124] : memref<10240x128xf32, #tpu.memory_space<vmem_shared>> -> memref<10240x128xf32, #tpu.memory_space<vmem_shared>>
      tpu.wait_indirect_dma semaphore(%arg24 : memref<!tpu.dma_semaphore, #tpu.memory_space<semaphore_mem>>) src(%arg14 : memref<112x128xf32, #tpu.memory_space<vmem>>) dst(%dma_wait3A_125 : memref<10240x128xf32, #tpu.memory_space<vmem_shared>>)
      %add3A_126 = arith.constant 3 : i32
      %add3A_127 = arith.addi %mul3A_64, %add3A_126 : i32
      %add3A_128 = arith.constant 1 : i32
      %add3A_129 = arith.addi %add3A_127, %add3A_128 : i32
      %lt3A_130 = arith.cmpi slt, %add3A_129, %select_n3A : i32
      %convert_element_type3A_131 = arith.extui %lt3A_130 : i1 to i32
      %cond3A_132 = arith.constant 0 : i32
      %cond3A_133 = arith.cmpi ne, %convert_element_type3A_131, %cond3A_132 : i32
      scf.if %cond3A_133 {
        %add3A_145 = arith.constant 3 : i32
        %add3A_146 = arith.addi %mul3A_64, %add3A_145 : i32
        %add3A_147 = arith.constant 1 : i32
        %add3A_148 = arith.addi %add3A_146, %add3A_147 : i32
        %mul3A_149 = arith.constant 112 : i32
        %mul3A_150 = arith.muli %add3A_148, %mul3A_149 : i32
        %add3A_151 = arith.addi %mul3A_10, %mul3A_150 : i32
        %dma_start3A_152 = tpu.memref_slice %arg2[%add3A_151] : memref<322560xi32, #tpu.memory_space<hbm>> -> memref<112xi32, #tpu.memory_space<hbm>>
        %dma_start3A_153 = tpu.memref_slice %arg2[%add3A_151] : memref<322560xi32, #tpu.memory_space<hbm>> -> memref<112xi32, #tpu.memory_space<hbm>>
        tpu.enqueue_dma source(%dma_start3A_153 : memref<112xi32, #tpu.memory_space<hbm>>) target(%arg8 : memref<112xi32, #tpu.memory_space<vmem>>) target_semaphore(%arg18 : memref<!tpu.dma_semaphore, #tpu.memory_space<semaphore_mem>>)
        %dma_start3A_154 = tpu.memref_slice %arg3[%add3A_151] : memref<322560xi32, #tpu.memory_space<hbm>> -> memref<112xi32, #tpu.memory_space<hbm>>
        %dma_start3A_155 = tpu.memref_slice %arg3[%add3A_151] : memref<322560xi32, #tpu.memory_space<hbm>> -> memref<112xi32, #tpu.memory_space<hbm>>
        tpu.enqueue_dma source(%dma_start3A_155 : memref<112xi32, #tpu.memory_space<hbm>>) target(%arg11 : memref<112xi32, #tpu.memory_space<vmem>>) target_semaphore(%arg18 : memref<!tpu.dma_semaphore, #tpu.memory_space<semaphore_mem>>)
      } else {
      }
      %dma_wait3A_134 = arith.constant 0 : i32
      %dma_wait3A_135 = arith.constant 0 : i32
      %dma_wait3A_136 = tpu.memref_slice %arg16[%dma_wait3A_134, %dma_wait3A_135] : memref<10240x128xf32, #tpu.memory_space<vmem_shared>> -> memref<10240x128xf32, #tpu.memory_space<vmem_shared>>
      tpu.wait_indirect_dma semaphore(%arg25 : memref<!tpu.dma_semaphore, #tpu.memory_space<semaphore_mem>>) src(%arg15 : memref<112x128xf32, #tpu.memory_space<vmem>>) dst(%dma_wait3A_136 : memref<10240x128xf32, #tpu.memory_space<vmem_shared>>)
      %add3A_137 = arith.constant 3 : i32
      %add3A_138 = arith.addi %mul3A_64, %add3A_137 : i32
      %add3A_139 = arith.constant 2 : i32
      %add3A_140 = arith.addi %add3A_138, %add3A_139 : i32
      %lt3A_141 = arith.cmpi slt, %add3A_140, %select_n3A : i32
      %convert_element_type3A_142 = arith.extui %lt3A_141 : i1 to i32
      %cond3A_143 = arith.constant 0 : i32
      %cond3A_144 = arith.cmpi ne, %convert_element_type3A_142, %cond3A_143 : i32
      scf.if %cond3A_144 {
        %add3A_145 = arith.constant 3 : i32
        %add3A_146 = arith.addi %mul3A_64, %add3A_145 : i32
        %add3A_147 = arith.constant 2 : i32
        %add3A_148 = arith.addi %add3A_146, %add3A_147 : i32
        %mul3A_149 = arith.constant 112 : i32
        %mul3A_150 = arith.muli %add3A_148, %mul3A_149 : i32
        %add3A_151 = arith.addi %mul3A_10, %mul3A_150 : i32
        %dma_start3A_152 = tpu.memref_slice %arg2[%add3A_151] : memref<322560xi32, #tpu.memory_space<hbm>> -> memref<112xi32, #tpu.memory_space<hbm>>
        %dma_start3A_153 = tpu.memref_slice %arg2[%add3A_151] : memref<322560xi32, #tpu.memory_space<hbm>> -> memref<112xi32, #tpu.memory_space<hbm>>
        tpu.enqueue_dma source(%dma_start3A_153 : memref<112xi32, #tpu.memory_space<hbm>>) target(%arg9 : memref<112xi32, #tpu.memory_space<vmem>>) target_semaphore(%arg19 : memref<!tpu.dma_semaphore, #tpu.memory_space<semaphore_mem>>)
        %dma_start3A_154 = tpu.memref_slice %arg3[%add3A_151] : memref<322560xi32, #tpu.memory_space<hbm>> -> memref<112xi32, #tpu.memory_space<hbm>>
        %dma_start3A_155 = tpu.memref_slice %arg3[%add3A_151] : memref<322560xi32, #tpu.memory_space<hbm>> -> memref<112xi32, #tpu.memory_space<hbm>>
        tpu.enqueue_dma source(%dma_start3A_155 : memref<112xi32, #tpu.memory_space<hbm>>) target(%arg12 : memref<112xi32, #tpu.memory_space<vmem>>) target_semaphore(%arg19 : memref<!tpu.dma_semaphore, #tpu.memory_space<semaphore_mem>>)
      } else {
      }
    }
    %barrier3A_57 = arith.constant 0 : index
    tpu.barrier barrier_id(%barrier3A_57)
    %mul3A_58 = arith.constant 640 : i32
    %mul3A_59 = arith.muli %arg1, %mul3A_58 : i32
    %mul3A_60 = arith.constant 640 : i32
    %mul3A_61 = arith.muli %arg1, %mul3A_60 : i32
    "tpu.region"() ({
      %run_scoped3A = tpu.sem_alloc : memref<!tpu.dma_semaphore, #tpu.memory_space<semaphore_mem>>
      %dma_start3A_62 = arith.constant 0 : i32
      %dma_start3A_63 = tpu.memref_slice %arg6[%arg0, %mul3A_61, %dma_start3A_62] : memref<2x10240x128xf32, #tpu.memory_space<hbm>> -> memref<1x640x128xf32, #tpu.memory_space<hbm>>
      %dma_start3A_64 = tpu.memref_squeeze %dma_start3A_63 : memref<1x640x128xf32, #tpu.memory_space<hbm>> -> memref<640x128xf32, #tpu.memory_space<hbm>>
      %dma_start3A_65 = arith.constant 0 : i32
      %dma_start3A_66 = tpu.memref_slice %arg16[%mul3A_59, %dma_start3A_65] : memref<10240x128xf32, #tpu.memory_space<vmem_shared>> -> memref<640x128xf32, #tpu.memory_space<vmem_shared>>
      tpu.enqueue_dma source(%dma_start3A_66 : memref<640x128xf32, #tpu.memory_space<vmem_shared>>) target(%dma_start3A_64 : memref<640x128xf32, #tpu.memory_space<hbm>>) target_semaphore(%run_scoped3A : memref<!tpu.dma_semaphore, #tpu.memory_space<semaphore_mem>>)
      %dma_wait3A = arith.constant 0 : i32
      %dma_wait3A_67 = tpu.memref_slice %arg6[%arg0, %mul3A_61, %dma_wait3A] : memref<2x10240x128xf32, #tpu.memory_space<hbm>> -> memref<1x640x128xf32, #tpu.memory_space<hbm>>
      %dma_wait3A_68 = tpu.memref_squeeze %dma_wait3A_67 : memref<1x640x128xf32, #tpu.memory_space<hbm>> -> memref<640x128xf32, #tpu.memory_space<hbm>>
      %dma_wait3A_69 = arith.constant 0 : i32
      %dma_wait3A_70 = tpu.memref_slice %arg16[%mul3A_59, %dma_wait3A_69] : memref<10240x128xf32, #tpu.memory_space<vmem_shared>> -> memref<640x128xf32, #tpu.memory_space<vmem_shared>>
      tpu.wait_dma2 semaphore(%run_scoped3A : memref<!tpu.dma_semaphore, #tpu.memory_space<semaphore_mem>>) src(%dma_wait3A_70 : memref<640x128xf32, #tpu.memory_space<vmem_shared>>) dst(%dma_wait3A_68 : memref<640x128xf32, #tpu.memory_space<hbm>>)
      tpu.yield
    }) : () -> ()
    return
  }
}

#map = affine_map<(d0, d1) -> (0)>
#map1 = affine_map<(d0, d1) -> (0, 0)>
#map2 = affine_map<(d0, d1) -> (0, 0, 0)>
module attributes {stable_mosaic.version = 14 : i64} {
  func.func @deg_kernel(%arg0: i32, %arg1: i32, %arg2: memref<322560xi32, #tpu.memory_space<hbm>>, %arg3: memref<640x128xf32, #tpu.memory_space<hbm>>, %arg4: memref<112x128xf32, #tpu.memory_space<hbm>>, %arg5: memref<2x10240x128xf32, #tpu.memory_space<hbm>>, %arg6: memref<112xi32, #tpu.memory_space<vmem>>, %arg7: memref<112xi32, #tpu.memory_space<vmem>>, %arg8: memref<112x128xf32, #tpu.memory_space<vmem>>, %arg9: memref<10240x128xf32, #tpu.memory_space<vmem_shared>>, %arg10: memref<!tpu.dma_semaphore, #tpu.memory_space<semaphore_mem>>, %arg11: memref<!tpu.dma_semaphore, #tpu.memory_space<semaphore_mem>>, %arg12: memref<!tpu.dma_semaphore, #tpu.memory_space<semaphore_mem>>, %arg13: memref<!tpu.dma_semaphore, #tpu.memory_space<semaphore_mem>>) attributes {dimension_semantics = [#tpu.dimension_semantics<core_parallel>, #tpu.dimension_semantics<subcore_parallel>], iteration_bounds = array<i64: 2, 16>, scalar_prefetch = 0 : i64, scratch_operands = 8 : i64, tpu.core_type = #tpu.core_type<sc_vector_subcore>, window_params = [{transform_indices = #map}, {transform_indices = #map1}, {transform_indices = #map1}, {transform_indices = #map2}]} {
    %mul3A = arith.constant 16 : i32
    %mul3A_0 = arith.muli %arg0, %mul3A : i32
    %add3A = arith.addi %mul3A_0, %arg1 : i32
    %mul3A_1 = arith.constant 640 : i32
    %mul3A_2 = arith.muli %arg1, %mul3A_1 : i32
    "tpu.region"() ({
      %run_scoped3A = tpu.sem_alloc : memref<!tpu.dma_semaphore, #tpu.memory_space<semaphore_mem>>
      %dma_start3A_24 = arith.constant 0 : i32
      %dma_start3A_25 = tpu.memref_slice %arg9[%mul3A_2, %dma_start3A_24] : memref<10240x128xf32, #tpu.memory_space<vmem_shared>> -> memref<640x128xf32, #tpu.memory_space<vmem_shared>>
      tpu.enqueue_dma source(%arg3 : memref<640x128xf32, #tpu.memory_space<hbm>>) target(%dma_start3A_25 : memref<640x128xf32, #tpu.memory_space<vmem_shared>>) target_semaphore(%run_scoped3A : memref<!tpu.dma_semaphore, #tpu.memory_space<semaphore_mem>>)
      %dma_wait3A = arith.constant 0 : i32
      %dma_wait3A_26 = tpu.memref_slice %arg9[%mul3A_2, %dma_wait3A] : memref<10240x128xf32, #tpu.memory_space<vmem_shared>> -> memref<640x128xf32, #tpu.memory_space<vmem_shared>>
      tpu.wait_dma2 semaphore(%run_scoped3A : memref<!tpu.dma_semaphore, #tpu.memory_space<semaphore_mem>>) src(%arg3 : memref<640x128xf32, #tpu.memory_space<hbm>>) dst(%dma_wait3A_26 : memref<640x128xf32, #tpu.memory_space<vmem_shared>>)
      tpu.yield
    }) : () -> ()
    "tpu.region"() ({
      %run_scoped3A = tpu.sem_alloc : memref<!tpu.dma_semaphore, #tpu.memory_space<semaphore_mem>>
      tpu.enqueue_dma source(%arg4 : memref<112x128xf32, #tpu.memory_space<hbm>>) target(%arg8 : memref<112x128xf32, #tpu.memory_space<vmem>>) target_semaphore(%run_scoped3A : memref<!tpu.dma_semaphore, #tpu.memory_space<semaphore_mem>>)
      tpu.wait_dma2 semaphore(%run_scoped3A : memref<!tpu.dma_semaphore, #tpu.memory_space<semaphore_mem>>) src(%arg4 : memref<112x128xf32, #tpu.memory_space<hbm>>) dst(%arg8 : memref<112x128xf32, #tpu.memory_space<vmem>>)
      tpu.yield
    }) : () -> ()
    %mul3A_3 = arith.constant 90 : i32
    %mul3A_4 = arith.muli %add3A, %mul3A_3 : i32
    %mul3A_5 = arith.constant 112 : i32
    %mul3A_6 = arith.muli %mul3A_4, %mul3A_5 : i32
    %barrier3A = arith.constant 0 : index
    tpu.barrier barrier_id(%barrier3A)
    %add3A_7 = arith.constant 0 : i32
    %add3A_8 = arith.addi %mul3A_6, %add3A_7 : i32
    %dma_start3A = tpu.memref_slice %arg2[%add3A_8] : memref<322560xi32, #tpu.memory_space<hbm>> -> memref<112xi32, #tpu.memory_space<hbm>>
    %dma_start3A_9 = tpu.memref_slice %arg2[%add3A_8] : memref<322560xi32, #tpu.memory_space<hbm>> -> memref<112xi32, #tpu.memory_space<hbm>>
    tpu.enqueue_dma source(%dma_start3A_9 : memref<112xi32, #tpu.memory_space<hbm>>) target(%arg6 : memref<112xi32, #tpu.memory_space<vmem>>) target_semaphore(%arg10 : memref<!tpu.dma_semaphore, #tpu.memory_space<semaphore_mem>>)
    %add3A_10 = arith.constant 112 : i32
    %add3A_11 = arith.addi %mul3A_6, %add3A_10 : i32
    %dma_start3A_12 = tpu.memref_slice %arg2[%add3A_11] : memref<322560xi32, #tpu.memory_space<hbm>> -> memref<112xi32, #tpu.memory_space<hbm>>
    %dma_start3A_13 = tpu.memref_slice %arg2[%add3A_11] : memref<322560xi32, #tpu.memory_space<hbm>> -> memref<112xi32, #tpu.memory_space<hbm>>
    tpu.enqueue_dma source(%dma_start3A_13 : memref<112xi32, #tpu.memory_space<hbm>>) target(%arg7 : memref<112xi32, #tpu.memory_space<vmem>>) target_semaphore(%arg11 : memref<!tpu.dma_semaphore, #tpu.memory_space<semaphore_mem>>)
    %scan3A = arith.constant 0 : i32
    %scan3A_14 = arith.constant 0 : i32
    %scan3A_15 = arith.constant 45 : i32
    %scan3A_16 = arith.addi %scan3A_14, %scan3A_15 : i32
    %scan3A_17 = arith.constant 1 : i32
    scf.for %scan3A_24 = %scan3A_14 to %scan3A_16 step %scan3A_17  : i32 {
      %mul3A_25 = arith.constant 2 : i32
      %mul3A_26 = arith.muli %mul3A_25, %scan3A_24 : i32
      %dma_wait3A = arith.constant 0 : i32
      %dma_wait3A_27 = tpu.memref_slice %arg2[%dma_wait3A] : memref<322560xi32, #tpu.memory_space<hbm>> -> memref<112xi32, #tpu.memory_space<hbm>>
      %dma_wait3A_28 = arith.constant 0 : i32
      %dma_wait3A_29 = tpu.memref_slice %arg2[%dma_wait3A_28] : memref<322560xi32, #tpu.memory_space<hbm>> -> memref<112xi32, #tpu.memory_space<hbm>>
      tpu.wait_dma2 semaphore(%arg10 : memref<!tpu.dma_semaphore, #tpu.memory_space<semaphore_mem>>) src(%dma_wait3A_29 : memref<112xi32, #tpu.memory_space<hbm>>) dst(%arg6 : memref<112xi32, #tpu.memory_space<vmem>>)
      %dma_start3A_30 = arith.constant 0 : i32
      %dma_start3A_31 = arith.constant 0 : i32
      %dma_start3A_32 = tpu.memref_slice %arg9[%dma_start3A_30, %dma_start3A_31] : memref<10240x128xf32, #tpu.memory_space<vmem_shared>> -> memref<10240x128xf32, #tpu.memory_space<vmem_shared>>
      tpu.enqueue_indirect_dma source(%arg8 : memref<112x128xf32, #tpu.memory_space<vmem>>) target(%dma_start3A_32 : memref<10240x128xf32, #tpu.memory_space<vmem_shared>>) offsets(%arg6 : memref<112xi32, #tpu.memory_space<vmem>>) semaphore(%arg12 : memref<!tpu.dma_semaphore, #tpu.memory_space<semaphore_mem>>) {add = true}
      %dma_wait3A_33 = arith.constant 0 : i32
      %dma_wait3A_34 = tpu.memref_slice %arg2[%dma_wait3A_33] : memref<322560xi32, #tpu.memory_space<hbm>> -> memref<112xi32, #tpu.memory_space<hbm>>
      %dma_wait3A_35 = arith.constant 0 : i32
      %dma_wait3A_36 = tpu.memref_slice %arg2[%dma_wait3A_35] : memref<322560xi32, #tpu.memory_space<hbm>> -> memref<112xi32, #tpu.memory_space<hbm>>
      tpu.wait_dma2 semaphore(%arg11 : memref<!tpu.dma_semaphore, #tpu.memory_space<semaphore_mem>>) src(%dma_wait3A_36 : memref<112xi32, #tpu.memory_space<hbm>>) dst(%arg7 : memref<112xi32, #tpu.memory_space<vmem>>)
      %dma_start3A_37 = arith.constant 0 : i32
      %dma_start3A_38 = arith.constant 0 : i32
      %dma_start3A_39 = tpu.memref_slice %arg9[%dma_start3A_37, %dma_start3A_38] : memref<10240x128xf32, #tpu.memory_space<vmem_shared>> -> memref<10240x128xf32, #tpu.memory_space<vmem_shared>>
      tpu.enqueue_indirect_dma source(%arg8 : memref<112x128xf32, #tpu.memory_space<vmem>>) target(%dma_start3A_39 : memref<10240x128xf32, #tpu.memory_space<vmem_shared>>) offsets(%arg7 : memref<112xi32, #tpu.memory_space<vmem>>) semaphore(%arg13 : memref<!tpu.dma_semaphore, #tpu.memory_space<semaphore_mem>>) {add = true}
      %dma_wait3A_40 = arith.constant 0 : i32
      %dma_wait3A_41 = arith.constant 0 : i32
      %dma_wait3A_42 = tpu.memref_slice %arg9[%dma_wait3A_40, %dma_wait3A_41] : memref<10240x128xf32, #tpu.memory_space<vmem_shared>> -> memref<10240x128xf32, #tpu.memory_space<vmem_shared>>
      tpu.wait_indirect_dma semaphore(%arg12 : memref<!tpu.dma_semaphore, #tpu.memory_space<semaphore_mem>>) src(%arg8 : memref<112x128xf32, #tpu.memory_space<vmem>>) dst(%dma_wait3A_42 : memref<10240x128xf32, #tpu.memory_space<vmem_shared>>)
      %add3A_43 = arith.constant 2 : i32
      %add3A_44 = arith.addi %mul3A_26, %add3A_43 : i32
      %lt3A = arith.constant 90 : i32
      %lt3A_45 = arith.cmpi slt, %add3A_44, %lt3A : i32
      %convert_element_type3A = arith.extui %lt3A_45 : i1 to i32
      %cond3A = arith.constant 0 : i32
      %cond3A_46 = arith.cmpi ne, %convert_element_type3A, %cond3A : i32
      scf.if %cond3A_46 {
        %add3A_57 = arith.constant 2 : i32
        %add3A_58 = arith.addi %mul3A_26, %add3A_57 : i32
        %mul3A_59 = arith.constant 112 : i32
        %mul3A_60 = arith.muli %add3A_58, %mul3A_59 : i32
        %add3A_61 = arith.addi %mul3A_6, %mul3A_60 : i32
        %dma_start3A_62 = tpu.memref_slice %arg2[%add3A_61] : memref<322560xi32, #tpu.memory_space<hbm>> -> memref<112xi32, #tpu.memory_space<hbm>>
        %dma_start3A_63 = tpu.memref_slice %arg2[%add3A_61] : memref<322560xi32, #tpu.memory_space<hbm>> -> memref<112xi32, #tpu.memory_space<hbm>>
        tpu.enqueue_dma source(%dma_start3A_63 : memref<112xi32, #tpu.memory_space<hbm>>) target(%arg6 : memref<112xi32, #tpu.memory_space<vmem>>) target_semaphore(%arg10 : memref<!tpu.dma_semaphore, #tpu.memory_space<semaphore_mem>>)
      } else {
      }
      %dma_wait3A_47 = arith.constant 0 : i32
      %dma_wait3A_48 = arith.constant 0 : i32
      %dma_wait3A_49 = tpu.memref_slice %arg9[%dma_wait3A_47, %dma_wait3A_48] : memref<10240x128xf32, #tpu.memory_space<vmem_shared>> -> memref<10240x128xf32, #tpu.memory_space<vmem_shared>>
      tpu.wait_indirect_dma semaphore(%arg13 : memref<!tpu.dma_semaphore, #tpu.memory_space<semaphore_mem>>) src(%arg8 : memref<112x128xf32, #tpu.memory_space<vmem>>) dst(%dma_wait3A_49 : memref<10240x128xf32, #tpu.memory_space<vmem_shared>>)
      %add3A_50 = arith.constant 3 : i32
      %add3A_51 = arith.addi %mul3A_26, %add3A_50 : i32
      %lt3A_52 = arith.constant 90 : i32
      %lt3A_53 = arith.cmpi slt, %add3A_51, %lt3A_52 : i32
      %convert_element_type3A_54 = arith.extui %lt3A_53 : i1 to i32
      %cond3A_55 = arith.constant 0 : i32
      %cond3A_56 = arith.cmpi ne, %convert_element_type3A_54, %cond3A_55 : i32
      scf.if %cond3A_56 {
        %add3A_57 = arith.constant 3 : i32
        %add3A_58 = arith.addi %mul3A_26, %add3A_57 : i32
        %mul3A_59 = arith.constant 112 : i32
        %mul3A_60 = arith.muli %add3A_58, %mul3A_59 : i32
        %add3A_61 = arith.addi %mul3A_6, %mul3A_60 : i32
        %dma_start3A_62 = tpu.memref_slice %arg2[%add3A_61] : memref<322560xi32, #tpu.memory_space<hbm>> -> memref<112xi32, #tpu.memory_space<hbm>>
        %dma_start3A_63 = tpu.memref_slice %arg2[%add3A_61] : memref<322560xi32, #tpu.memory_space<hbm>> -> memref<112xi32, #tpu.memory_space<hbm>>
        tpu.enqueue_dma source(%dma_start3A_63 : memref<112xi32, #tpu.memory_space<hbm>>) target(%arg7 : memref<112xi32, #tpu.memory_space<vmem>>) target_semaphore(%arg11 : memref<!tpu.dma_semaphore, #tpu.memory_space<semaphore_mem>>)
      } else {
      }
    }
    %scan3A_18 = arith.constant 45 : i32
    %barrier3A_19 = arith.constant 0 : index
    tpu.barrier barrier_id(%barrier3A_19)
    %mul3A_20 = arith.constant 640 : i32
    %mul3A_21 = arith.muli %arg1, %mul3A_20 : i32
    %mul3A_22 = arith.constant 640 : i32
    %mul3A_23 = arith.muli %arg1, %mul3A_22 : i32
    "tpu.region"() ({
      %run_scoped3A = tpu.sem_alloc : memref<!tpu.dma_semaphore, #tpu.memory_space<semaphore_mem>>
      %dma_start3A_24 = arith.constant 0 : i32
      %dma_start3A_25 = tpu.memref_slice %arg5[%arg0, %mul3A_23, %dma_start3A_24] : memref<2x10240x128xf32, #tpu.memory_space<hbm>> -> memref<1x640x128xf32, #tpu.memory_space<hbm>>
      %dma_start3A_26 = tpu.memref_squeeze %dma_start3A_25 : memref<1x640x128xf32, #tpu.memory_space<hbm>> -> memref<640x128xf32, #tpu.memory_space<hbm>>
      %dma_start3A_27 = arith.constant 0 : i32
      %dma_start3A_28 = tpu.memref_slice %arg9[%mul3A_21, %dma_start3A_27] : memref<10240x128xf32, #tpu.memory_space<vmem_shared>> -> memref<640x128xf32, #tpu.memory_space<vmem_shared>>
      tpu.enqueue_dma source(%dma_start3A_28 : memref<640x128xf32, #tpu.memory_space<vmem_shared>>) target(%dma_start3A_26 : memref<640x128xf32, #tpu.memory_space<hbm>>) target_semaphore(%run_scoped3A : memref<!tpu.dma_semaphore, #tpu.memory_space<semaphore_mem>>)
      %dma_wait3A = arith.constant 0 : i32
      %dma_wait3A_29 = tpu.memref_slice %arg5[%arg0, %mul3A_23, %dma_wait3A] : memref<2x10240x128xf32, #tpu.memory_space<hbm>> -> memref<1x640x128xf32, #tpu.memory_space<hbm>>
      %dma_wait3A_30 = tpu.memref_squeeze %dma_wait3A_29 : memref<1x640x128xf32, #tpu.memory_space<hbm>> -> memref<640x128xf32, #tpu.memory_space<hbm>>
      %dma_wait3A_31 = arith.constant 0 : i32
      %dma_wait3A_32 = tpu.memref_slice %arg9[%mul3A_21, %dma_wait3A_31] : memref<10240x128xf32, #tpu.memory_space<vmem_shared>> -> memref<640x128xf32, #tpu.memory_space<vmem_shared>>
      tpu.wait_dma2 semaphore(%run_scoped3A : memref<!tpu.dma_semaphore, #tpu.memory_space<semaphore_mem>>) src(%dma_wait3A_32 : memref<640x128xf32, #tpu.memory_space<vmem_shared>>) dst(%dma_wait3A_30 : memref<640x128xf32, #tpu.memory_space<hbm>>)
      tpu.yield
    }) : () -> ()
    return
  }
}

#map = affine_map<(d0, d1) -> (0)>
#map1 = affine_map<(d0, d1) -> (0, 0)>
#map2 = affine_map<(d0, d1) -> (0, 0, 0)>
module attributes {stable_mosaic.version = 14 : i64} {
  func.func @prop_kernel(%arg0: i32, %arg1: i32, %arg2: memref<322560xi32, #tpu.memory_space<hbm>>, %arg3: memref<322560xi32, #tpu.memory_space<hbm>>, %arg4: memref<10240x128xf32, #tpu.memory_space<hbm>>, %arg5: memref<640x128xf32, #tpu.memory_space<hbm>>, %arg6: memref<2x10240x128xf32, #tpu.memory_space<hbm>>, %arg7: memref<112xi32, #tpu.memory_space<vmem>>, %arg8: memref<112xi32, #tpu.memory_space<vmem>>, %arg9: memref<112xi32, #tpu.memory_space<vmem>>, %arg10: memref<112xi32, #tpu.memory_space<vmem>>, %arg11: memref<112xi32, #tpu.memory_space<vmem>>, %arg12: memref<112xi32, #tpu.memory_space<vmem>>, %arg13: memref<112x128xf32, #tpu.memory_space<vmem>>, %arg14: memref<112x128xf32, #tpu.memory_space<vmem>>, %arg15: memref<112x128xf32, #tpu.memory_space<vmem>>, %arg16: memref<10240x128xf32, #tpu.memory_space<vmem_shared>>, %arg17: memref<!tpu.dma_semaphore, #tpu.memory_space<semaphore_mem>>, %arg18: memref<!tpu.dma_semaphore, #tpu.memory_space<semaphore_mem>>, %arg19: memref<!tpu.dma_semaphore, #tpu.memory_space<semaphore_mem>>, %arg20: memref<!tpu.dma_semaphore, #tpu.memory_space<semaphore_mem>>, %arg21: memref<!tpu.dma_semaphore, #tpu.memory_space<semaphore_mem>>, %arg22: memref<!tpu.dma_semaphore, #tpu.memory_space<semaphore_mem>>, %arg23: memref<!tpu.dma_semaphore, #tpu.memory_space<semaphore_mem>>, %arg24: memref<!tpu.dma_semaphore, #tpu.memory_space<semaphore_mem>>, %arg25: memref<!tpu.dma_semaphore, #tpu.memory_space<semaphore_mem>>) attributes {dimension_semantics = [#tpu.dimension_semantics<core_parallel>, #tpu.dimension_semantics<subcore_parallel>], iteration_bounds = array<i64: 2, 16>, scalar_prefetch = 0 : i64, scratch_operands = 19 : i64, tpu.core_type = #tpu.core_type<sc_vector_subcore>, window_params = [{transform_indices = #map}, {transform_indices = #map}, {transform_indices = #map1}, {transform_indices = #map1}, {transform_indices = #map2}]} {
    %eq3A = arith.constant 0 : i32
    %eq3A_0 = arith.cmpi eq, %arg0, %eq3A : i32
    %jit3A = arith.constant 90 : i32
    %jit3A_1 = arith.constant 90 : i32
    %select_n3A = arith.select %eq3A_0, %jit3A, %jit3A_1 : i32
    %eq3A_2 = arith.constant 0 : i32
    %eq3A_3 = arith.cmpi eq, %arg0, %eq3A_2 : i32
    %mul3A = arith.constant 90 : i32
    %mul3A_4 = arith.muli %arg1, %mul3A : i32
    %mul3A_5 = arith.constant 90 : i32
    %mul3A_6 = arith.muli %arg1, %mul3A_5 : i32
    %add3A = arith.constant 1440 : i32
    %add3A_7 = arith.addi %add3A, %mul3A_6 : i32
    %select_n3A_8 = arith.select %eq3A_3, %mul3A_4, %add3A_7 : i32
    %mul3A_9 = arith.constant 112 : i32
    %mul3A_10 = arith.muli %select_n3A_8, %mul3A_9 : i32
    %mul3A_11 = arith.constant 640 : i32
    %mul3A_12 = arith.muli %arg1, %mul3A_11 : i32
    "tpu.region"() ({
      %run_scoped3A = tpu.sem_alloc : memref<!tpu.dma_semaphore, #tpu.memory_space<semaphore_mem>>
      %dma_start3A_62 = arith.constant 0 : i32
      %dma_start3A_63 = tpu.memref_slice %arg16[%mul3A_12, %dma_start3A_62] : memref<10240x128xf32, #tpu.memory_space<vmem_shared>> -> memref<640x128xf32, #tpu.memory_space<vmem_shared>>
      tpu.enqueue_dma source(%arg5 : memref<640x128xf32, #tpu.memory_space<hbm>>) target(%dma_start3A_63 : memref<640x128xf32, #tpu.memory_space<vmem_shared>>) target_semaphore(%run_scoped3A : memref<!tpu.dma_semaphore, #tpu.memory_space<semaphore_mem>>)
      %dma_wait3A = arith.constant 0 : i32
      %dma_wait3A_64 = tpu.memref_slice %arg16[%mul3A_12, %dma_wait3A] : memref<10240x128xf32, #tpu.memory_space<vmem_shared>> -> memref<640x128xf32, #tpu.memory_space<vmem_shared>>
      tpu.wait_dma2 semaphore(%run_scoped3A : memref<!tpu.dma_semaphore, #tpu.memory_space<semaphore_mem>>) src(%arg5 : memref<640x128xf32, #tpu.memory_space<hbm>>) dst(%dma_wait3A_64 : memref<640x128xf32, #tpu.memory_space<vmem_shared>>)
      tpu.yield
    }) : () -> ()
    %barrier3A = arith.constant 0 : index
    tpu.barrier barrier_id(%barrier3A)
    %add3A_13 = arith.constant 0 : i32
    %add3A_14 = arith.addi %mul3A_10, %add3A_13 : i32
    %dma_start3A = tpu.memref_slice %arg2[%add3A_14] : memref<322560xi32, #tpu.memory_space<hbm>> -> memref<112xi32, #tpu.memory_space<hbm>>
    %dma_start3A_15 = tpu.memref_slice %arg2[%add3A_14] : memref<322560xi32, #tpu.memory_space<hbm>> -> memref<112xi32, #tpu.memory_space<hbm>>
    tpu.enqueue_dma source(%dma_start3A_15 : memref<112xi32, #tpu.memory_space<hbm>>) target(%arg7 : memref<112xi32, #tpu.memory_space<vmem>>) target_semaphore(%arg17 : memref<!tpu.dma_semaphore, #tpu.memory_space<semaphore_mem>>)
    %dma_start3A_16 = tpu.memref_slice %arg3[%add3A_14] : memref<322560xi32, #tpu.memory_space<hbm>> -> memref<112xi32, #tpu.memory_space<hbm>>
    %dma_start3A_17 = tpu.memref_slice %arg3[%add3A_14] : memref<322560xi32, #tpu.memory_space<hbm>> -> memref<112xi32, #tpu.memory_space<hbm>>
    tpu.enqueue_dma source(%dma_start3A_17 : memref<112xi32, #tpu.memory_space<hbm>>) target(%arg10 : memref<112xi32, #tpu.memory_space<vmem>>) target_semaphore(%arg17 : memref<!tpu.dma_semaphore, #tpu.memory_space<semaphore_mem>>)
    %add3A_18 = arith.constant 112 : i32
    %add3A_19 = arith.addi %mul3A_10, %add3A_18 : i32
    %dma_start3A_20 = tpu.memref_slice %arg2[%add3A_19] : memref<322560xi32, #tpu.memory_space<hbm>> -> memref<112xi32, #tpu.memory_space<hbm>>
    %dma_start3A_21 = tpu.memref_slice %arg2[%add3A_19] : memref<322560xi32, #tpu.memory_space<hbm>> -> memref<112xi32, #tpu.memory_space<hbm>>
    tpu.enqueue_dma source(%dma_start3A_21 : memref<112xi32, #tpu.memory_space<hbm>>) target(%arg8 : memref<112xi32, #tpu.memory_space<vmem>>) target_semaphore(%arg18 : memref<!tpu.dma_semaphore, #tpu.memory_space<semaphore_mem>>)
    %dma_start3A_22 = tpu.memref_slice %arg3[%add3A_19] : memref<322560xi32, #tpu.memory_space<hbm>> -> memref<112xi32, #tpu.memory_space<hbm>>
    %dma_start3A_23 = tpu.memref_slice %arg3[%add3A_19] : memref<322560xi32, #tpu.memory_space<hbm>> -> memref<112xi32, #tpu.memory_space<hbm>>
    tpu.enqueue_dma source(%dma_start3A_23 : memref<112xi32, #tpu.memory_space<hbm>>) target(%arg11 : memref<112xi32, #tpu.memory_space<vmem>>) target_semaphore(%arg18 : memref<!tpu.dma_semaphore, #tpu.memory_space<semaphore_mem>>)
    %add3A_24 = arith.constant 224 : i32
    %add3A_25 = arith.addi %mul3A_10, %add3A_24 : i32
    %dma_start3A_26 = tpu.memref_slice %arg2[%add3A_25] : memref<322560xi32, #tpu.memory_space<hbm>> -> memref<112xi32, #tpu.memory_space<hbm>>
    %dma_start3A_27 = tpu.memref_slice %arg2[%add3A_25] : memref<322560xi32, #tpu.memory_space<hbm>> -> memref<112xi32, #tpu.memory_space<hbm>>
    tpu.enqueue_dma source(%dma_start3A_27 : memref<112xi32, #tpu.memory_space<hbm>>) target(%arg9 : memref<112xi32, #tpu.memory_space<vmem>>) target_semaphore(%arg19 : memref<!tpu.dma_semaphore, #tpu.memory_space<semaphore_mem>>)
    %dma_start3A_28 = tpu.memref_slice %arg3[%add3A_25] : memref<322560xi32, #tpu.memory_space<hbm>> -> memref<112xi32, #tpu.memory_space<hbm>>
    %dma_start3A_29 = tpu.memref_slice %arg3[%add3A_25] : memref<322560xi32, #tpu.memory_space<hbm>> -> memref<112xi32, #tpu.memory_space<hbm>>
    tpu.enqueue_dma source(%dma_start3A_29 : memref<112xi32, #tpu.memory_space<hbm>>) target(%arg12 : memref<112xi32, #tpu.memory_space<vmem>>) target_semaphore(%arg19 : memref<!tpu.dma_semaphore, #tpu.memory_space<semaphore_mem>>)
    %jit3A_30 = arith.constant 3 : i32
    %div3A = arith.divsi %select_n3A, %jit3A_30 : i32
    %sign3A = arith.constant 0 : i32
    %sign3A_31 = arith.cmpi sgt, %select_n3A, %sign3A : i32
    %sign3A_32 = arith.extui %sign3A_31 : i1 to i32
    %sign3A_33 = arith.constant 0 : i32
    %sign3A_34 = arith.cmpi slt, %select_n3A, %sign3A_33 : i32
    %sign3A_35 = arith.extui %sign3A_34 : i1 to i32
    %sign3A_36 = arith.subi %sign3A_32, %sign3A_35 : i32
    %sign3A_37 = arith.constant 0 : i32
    %sign3A_38 = arith.cmpi sgt, %jit3A_30, %sign3A_37 : i32
    %sign3A_39 = arith.extui %sign3A_38 : i1 to i32
    %sign3A_40 = arith.constant 0 : i32
    %sign3A_41 = arith.cmpi slt, %jit3A_30, %sign3A_40 : i32
    %sign3A_42 = arith.extui %sign3A_41 : i1 to i32
    %sign3A_43 = arith.subi %sign3A_39, %sign3A_42 : i32
    %ne3A = arith.cmpi ne, %sign3A_36, %sign3A_43 : i32
    %rem3A = arith.remsi %select_n3A, %jit3A_30 : i32
    %ne3A_44 = arith.constant 0 : i32
    %ne3A_45 = arith.cmpi ne, %rem3A, %ne3A_44 : i32
    %and3A = arith.andi %ne3A, %ne3A_45 : i1
    %sub3A = arith.constant 1 : i32
    %sub3A_46 = arith.subi %div3A, %sub3A : i32
    %select_n3A_47 = arith.select %and3A, %sub3A_46, %div3A : i32
    %while3A = arith.constant 0 : i32
    %while3A_48 = arith.constant 0 : i32
    %while3A_49 = arith.subi %select_n3A_47, %while3A_48 : i32
    %while3A_50 = arith.addi %while3A_48, %while3A_49 : i32
    %while3A_51 = arith.constant 1 : i32
    %while3A_52 = arith.divsi %while3A_49, %while3A_51 : i32
    %while3A_53 = arith.muli %while3A_52, %while3A_51 : i32
    %while3A_54 = arith.addi %while3A_48, %while3A_53 : i32
    %while3A_55 = arith.constant 1 : i32
    scf.for %while3A_62 = %while3A_48 to %while3A_54 step %while3A_55  : i32 {
      %mul3A_63 = arith.constant 3 : i32
      %mul3A_64 = arith.muli %mul3A_63, %while3A_62 : i32
      %dma_wait3A = arith.constant 0 : i32
      %dma_wait3A_65 = tpu.memref_slice %arg2[%dma_wait3A] : memref<322560xi32, #tpu.memory_space<hbm>> -> memref<112xi32, #tpu.memory_space<hbm>>
      %dma_wait3A_66 = arith.constant 0 : i32
      %dma_wait3A_67 = tpu.memref_slice %arg2[%dma_wait3A_66] : memref<322560xi32, #tpu.memory_space<hbm>> -> memref<112xi32, #tpu.memory_space<hbm>>
      tpu.wait_dma2 semaphore(%arg17 : memref<!tpu.dma_semaphore, #tpu.memory_space<semaphore_mem>>) src(%dma_wait3A_67 : memref<112xi32, #tpu.memory_space<hbm>>) dst(%arg7 : memref<112xi32, #tpu.memory_space<vmem>>)
      %dma_wait3A_68 = arith.constant 0 : i32
      %dma_wait3A_69 = tpu.memref_slice %arg3[%dma_wait3A_68] : memref<322560xi32, #tpu.memory_space<hbm>> -> memref<112xi32, #tpu.memory_space<hbm>>
      %dma_wait3A_70 = arith.constant 0 : i32
      %dma_wait3A_71 = tpu.memref_slice %arg3[%dma_wait3A_70] : memref<322560xi32, #tpu.memory_space<hbm>> -> memref<112xi32, #tpu.memory_space<hbm>>
      tpu.wait_dma2 semaphore(%arg17 : memref<!tpu.dma_semaphore, #tpu.memory_space<semaphore_mem>>) src(%dma_wait3A_71 : memref<112xi32, #tpu.memory_space<hbm>>) dst(%arg10 : memref<112xi32, #tpu.memory_space<vmem>>)
      %dma_start3A_72 = arith.constant 0 : i32
      %dma_start3A_73 = arith.constant 0 : i32
      %dma_start3A_74 = tpu.memref_slice %arg4[%dma_start3A_72, %dma_start3A_73] : memref<10240x128xf32, #tpu.memory_space<hbm>> -> memref<10240x128xf32, #tpu.memory_space<hbm>>
      tpu.enqueue_indirect_dma source(%dma_start3A_74 : memref<10240x128xf32, #tpu.memory_space<hbm>>) target(%arg13 : memref<112x128xf32, #tpu.memory_space<vmem>>) offsets(%arg7 : memref<112xi32, #tpu.memory_space<vmem>>) semaphore(%arg20 : memref<!tpu.dma_semaphore, #tpu.memory_space<semaphore_mem>>)
      %dma_wait3A_75 = arith.constant 0 : i32
      %dma_wait3A_76 = tpu.memref_slice %arg2[%dma_wait3A_75] : memref<322560xi32, #tpu.memory_space<hbm>> -> memref<112xi32, #tpu.memory_space<hbm>>
      %dma_wait3A_77 = arith.constant 0 : i32
      %dma_wait3A_78 = tpu.memref_slice %arg2[%dma_wait3A_77] : memref<322560xi32, #tpu.memory_space<hbm>> -> memref<112xi32, #tpu.memory_space<hbm>>
      tpu.wait_dma2 semaphore(%arg18 : memref<!tpu.dma_semaphore, #tpu.memory_space<semaphore_mem>>) src(%dma_wait3A_78 : memref<112xi32, #tpu.memory_space<hbm>>) dst(%arg8 : memref<112xi32, #tpu.memory_space<vmem>>)
      %dma_wait3A_79 = arith.constant 0 : i32
      %dma_wait3A_80 = tpu.memref_slice %arg3[%dma_wait3A_79] : memref<322560xi32, #tpu.memory_space<hbm>> -> memref<112xi32, #tpu.memory_space<hbm>>
      %dma_wait3A_81 = arith.constant 0 : i32
      %dma_wait3A_82 = tpu.memref_slice %arg3[%dma_wait3A_81] : memref<322560xi32, #tpu.memory_space<hbm>> -> memref<112xi32, #tpu.memory_space<hbm>>
      tpu.wait_dma2 semaphore(%arg18 : memref<!tpu.dma_semaphore, #tpu.memory_space<semaphore_mem>>) src(%dma_wait3A_82 : memref<112xi32, #tpu.memory_space<hbm>>) dst(%arg11 : memref<112xi32, #tpu.memory_space<vmem>>)
      %dma_start3A_83 = arith.constant 0 : i32
      %dma_start3A_84 = arith.constant 0 : i32
      %dma_start3A_85 = tpu.memref_slice %arg4[%dma_start3A_83, %dma_start3A_84] : memref<10240x128xf32, #tpu.memory_space<hbm>> -> memref<10240x128xf32, #tpu.memory_space<hbm>>
      tpu.enqueue_indirect_dma source(%dma_start3A_85 : memref<10240x128xf32, #tpu.memory_space<hbm>>) target(%arg14 : memref<112x128xf32, #tpu.memory_space<vmem>>) offsets(%arg8 : memref<112xi32, #tpu.memory_space<vmem>>) semaphore(%arg21 : memref<!tpu.dma_semaphore, #tpu.memory_space<semaphore_mem>>)
      %dma_wait3A_86 = arith.constant 0 : i32
      %dma_wait3A_87 = tpu.memref_slice %arg2[%dma_wait3A_86] : memref<322560xi32, #tpu.memory_space<hbm>> -> memref<112xi32, #tpu.memory_space<hbm>>
      %dma_wait3A_88 = arith.constant 0 : i32
      %dma_wait3A_89 = tpu.memref_slice %arg2[%dma_wait3A_88] : memref<322560xi32, #tpu.memory_space<hbm>> -> memref<112xi32, #tpu.memory_space<hbm>>
      tpu.wait_dma2 semaphore(%arg19 : memref<!tpu.dma_semaphore, #tpu.memory_space<semaphore_mem>>) src(%dma_wait3A_89 : memref<112xi32, #tpu.memory_space<hbm>>) dst(%arg9 : memref<112xi32, #tpu.memory_space<vmem>>)
      %dma_wait3A_90 = arith.constant 0 : i32
      %dma_wait3A_91 = tpu.memref_slice %arg3[%dma_wait3A_90] : memref<322560xi32, #tpu.memory_space<hbm>> -> memref<112xi32, #tpu.memory_space<hbm>>
      %dma_wait3A_92 = arith.constant 0 : i32
      %dma_wait3A_93 = tpu.memref_slice %arg3[%dma_wait3A_92] : memref<322560xi32, #tpu.memory_space<hbm>> -> memref<112xi32, #tpu.memory_space<hbm>>
      tpu.wait_dma2 semaphore(%arg19 : memref<!tpu.dma_semaphore, #tpu.memory_space<semaphore_mem>>) src(%dma_wait3A_93 : memref<112xi32, #tpu.memory_space<hbm>>) dst(%arg12 : memref<112xi32, #tpu.memory_space<vmem>>)
      %dma_start3A_94 = arith.constant 0 : i32
      %dma_start3A_95 = arith.constant 0 : i32
      %dma_start3A_96 = tpu.memref_slice %arg4[%dma_start3A_94, %dma_start3A_95] : memref<10240x128xf32, #tpu.memory_space<hbm>> -> memref<10240x128xf32, #tpu.memory_space<hbm>>
      tpu.enqueue_indirect_dma source(%dma_start3A_96 : memref<10240x128xf32, #tpu.memory_space<hbm>>) target(%arg15 : memref<112x128xf32, #tpu.memory_space<vmem>>) offsets(%arg9 : memref<112xi32, #tpu.memory_space<vmem>>) semaphore(%arg22 : memref<!tpu.dma_semaphore, #tpu.memory_space<semaphore_mem>>)
      %dma_wait3A_97 = arith.constant 0 : i32
      %dma_wait3A_98 = arith.constant 0 : i32
      %dma_wait3A_99 = tpu.memref_slice %arg4[%dma_wait3A_97, %dma_wait3A_98] : memref<10240x128xf32, #tpu.memory_space<hbm>> -> memref<10240x128xf32, #tpu.memory_space<hbm>>
      tpu.wait_indirect_dma semaphore(%arg20 : memref<!tpu.dma_semaphore, #tpu.memory_space<semaphore_mem>>) src(%dma_wait3A_99 : memref<10240x128xf32, #tpu.memory_space<hbm>>) dst(%arg13 : memref<112x128xf32, #tpu.memory_space<vmem>>)
      %dma_start3A_100 = arith.constant 0 : i32
      %dma_start3A_101 = arith.constant 0 : i32
      %dma_start3A_102 = tpu.memref_slice %arg16[%dma_start3A_100, %dma_start3A_101] : memref<10240x128xf32, #tpu.memory_space<vmem_shared>> -> memref<10240x128xf32, #tpu.memory_space<vmem_shared>>
      tpu.enqueue_indirect_dma source(%arg13 : memref<112x128xf32, #tpu.memory_space<vmem>>) target(%dma_start3A_102 : memref<10240x128xf32, #tpu.memory_space<vmem_shared>>) offsets(%arg10 : memref<112xi32, #tpu.memory_space<vmem>>) semaphore(%arg23 : memref<!tpu.dma_semaphore, #tpu.memory_space<semaphore_mem>>) {add = true}
      %dma_wait3A_103 = arith.constant 0 : i32
      %dma_wait3A_104 = arith.constant 0 : i32
      %dma_wait3A_105 = tpu.memref_slice %arg4[%dma_wait3A_103, %dma_wait3A_104] : memref<10240x128xf32, #tpu.memory_space<hbm>> -> memref<10240x128xf32, #tpu.memory_space<hbm>>
      tpu.wait_indirect_dma semaphore(%arg21 : memref<!tpu.dma_semaphore, #tpu.memory_space<semaphore_mem>>) src(%dma_wait3A_105 : memref<10240x128xf32, #tpu.memory_space<hbm>>) dst(%arg14 : memref<112x128xf32, #tpu.memory_space<vmem>>)
      %dma_start3A_106 = arith.constant 0 : i32
      %dma_start3A_107 = arith.constant 0 : i32
      %dma_start3A_108 = tpu.memref_slice %arg16[%dma_start3A_106, %dma_start3A_107] : memref<10240x128xf32, #tpu.memory_space<vmem_shared>> -> memref<10240x128xf32, #tpu.memory_space<vmem_shared>>
      tpu.enqueue_indirect_dma source(%arg14 : memref<112x128xf32, #tpu.memory_space<vmem>>) target(%dma_start3A_108 : memref<10240x128xf32, #tpu.memory_space<vmem_shared>>) offsets(%arg11 : memref<112xi32, #tpu.memory_space<vmem>>) semaphore(%arg24 : memref<!tpu.dma_semaphore, #tpu.memory_space<semaphore_mem>>) {add = true}
      %dma_wait3A_109 = arith.constant 0 : i32
      %dma_wait3A_110 = arith.constant 0 : i32
      %dma_wait3A_111 = tpu.memref_slice %arg4[%dma_wait3A_109, %dma_wait3A_110] : memref<10240x128xf32, #tpu.memory_space<hbm>> -> memref<10240x128xf32, #tpu.memory_space<hbm>>
      tpu.wait_indirect_dma semaphore(%arg22 : memref<!tpu.dma_semaphore, #tpu.memory_space<semaphore_mem>>) src(%dma_wait3A_111 : memref<10240x128xf32, #tpu.memory_space<hbm>>) dst(%arg15 : memref<112x128xf32, #tpu.memory_space<vmem>>)
      %dma_start3A_112 = arith.constant 0 : i32
      %dma_start3A_113 = arith.constant 0 : i32
      %dma_start3A_114 = tpu.memref_slice %arg16[%dma_start3A_112, %dma_start3A_113] : memref<10240x128xf32, #tpu.memory_space<vmem_shared>> -> memref<10240x128xf32, #tpu.memory_space<vmem_shared>>
      tpu.enqueue_indirect_dma source(%arg15 : memref<112x128xf32, #tpu.memory_space<vmem>>) target(%dma_start3A_114 : memref<10240x128xf32, #tpu.memory_space<vmem_shared>>) offsets(%arg12 : memref<112xi32, #tpu.memory_space<vmem>>) semaphore(%arg25 : memref<!tpu.dma_semaphore, #tpu.memory_space<semaphore_mem>>) {add = true}
      %dma_wait3A_115 = arith.constant 0 : i32
      %dma_wait3A_116 = arith.constant 0 : i32
      %dma_wait3A_117 = tpu.memref_slice %arg16[%dma_wait3A_115, %dma_wait3A_116] : memref<10240x128xf32, #tpu.memory_space<vmem_shared>> -> memref<10240x128xf32, #tpu.memory_space<vmem_shared>>
      tpu.wait_indirect_dma semaphore(%arg23 : memref<!tpu.dma_semaphore, #tpu.memory_space<semaphore_mem>>) src(%arg13 : memref<112x128xf32, #tpu.memory_space<vmem>>) dst(%dma_wait3A_117 : memref<10240x128xf32, #tpu.memory_space<vmem_shared>>)
      %add3A_118 = arith.constant 3 : i32
      %add3A_119 = arith.addi %mul3A_64, %add3A_118 : i32
      %add3A_120 = arith.constant 0 : i32
      %add3A_121 = arith.addi %add3A_119, %add3A_120 : i32
      %lt3A = arith.cmpi slt, %add3A_121, %select_n3A : i32
      %convert_element_type3A = arith.extui %lt3A : i1 to i32
      %cond3A = arith.constant 0 : i32
      %cond3A_122 = arith.cmpi ne, %convert_element_type3A, %cond3A : i32
      scf.if %cond3A_122 {
        %add3A_145 = arith.constant 3 : i32
        %add3A_146 = arith.addi %mul3A_64, %add3A_145 : i32
        %add3A_147 = arith.constant 0 : i32
        %add3A_148 = arith.addi %add3A_146, %add3A_147 : i32
        %mul3A_149 = arith.constant 112 : i32
        %mul3A_150 = arith.muli %add3A_148, %mul3A_149 : i32
        %add3A_151 = arith.addi %mul3A_10, %mul3A_150 : i32
        %dma_start3A_152 = tpu.memref_slice %arg2[%add3A_151] : memref<322560xi32, #tpu.memory_space<hbm>> -> memref<112xi32, #tpu.memory_space<hbm>>
        %dma_start3A_153 = tpu.memref_slice %arg2[%add3A_151] : memref<322560xi32, #tpu.memory_space<hbm>> -> memref<112xi32, #tpu.memory_space<hbm>>
        tpu.enqueue_dma source(%dma_start3A_153 : memref<112xi32, #tpu.memory_space<hbm>>) target(%arg7 : memref<112xi32, #tpu.memory_space<vmem>>) target_semaphore(%arg17 : memref<!tpu.dma_semaphore, #tpu.memory_space<semaphore_mem>>)
        %dma_start3A_154 = tpu.memref_slice %arg3[%add3A_151] : memref<322560xi32, #tpu.memory_space<hbm>> -> memref<112xi32, #tpu.memory_space<hbm>>
        %dma_start3A_155 = tpu.memref_slice %arg3[%add3A_151] : memref<322560xi32, #tpu.memory_space<hbm>> -> memref<112xi32, #tpu.memory_space<hbm>>
        tpu.enqueue_dma source(%dma_start3A_155 : memref<112xi32, #tpu.memory_space<hbm>>) target(%arg10 : memref<112xi32, #tpu.memory_space<vmem>>) target_semaphore(%arg17 : memref<!tpu.dma_semaphore, #tpu.memory_space<semaphore_mem>>)
      } else {
      }
      %dma_wait3A_123 = arith.constant 0 : i32
      %dma_wait3A_124 = arith.constant 0 : i32
      %dma_wait3A_125 = tpu.memref_slice %arg16[%dma_wait3A_123, %dma_wait3A_124] : memref<10240x128xf32, #tpu.memory_space<vmem_shared>> -> memref<10240x128xf32, #tpu.memory_space<vmem_shared>>
      tpu.wait_indirect_dma semaphore(%arg24 : memref<!tpu.dma_semaphore, #tpu.memory_space<semaphore_mem>>) src(%arg14 : memref<112x128xf32, #tpu.memory_space<vmem>>) dst(%dma_wait3A_125 : memref<10240x128xf32, #tpu.memory_space<vmem_shared>>)
      %add3A_126 = arith.constant 3 : i32
      %add3A_127 = arith.addi %mul3A_64, %add3A_126 : i32
      %add3A_128 = arith.constant 1 : i32
      %add3A_129 = arith.addi %add3A_127, %add3A_128 : i32
      %lt3A_130 = arith.cmpi slt, %add3A_129, %select_n3A : i32
      %convert_element_type3A_131 = arith.extui %lt3A_130 : i1 to i32
      %cond3A_132 = arith.constant 0 : i32
      %cond3A_133 = arith.cmpi ne, %convert_element_type3A_131, %cond3A_132 : i32
      scf.if %cond3A_133 {
        %add3A_145 = arith.constant 3 : i32
        %add3A_146 = arith.addi %mul3A_64, %add3A_145 : i32
        %add3A_147 = arith.constant 1 : i32
        %add3A_148 = arith.addi %add3A_146, %add3A_147 : i32
        %mul3A_149 = arith.constant 112 : i32
        %mul3A_150 = arith.muli %add3A_148, %mul3A_149 : i32
        %add3A_151 = arith.addi %mul3A_10, %mul3A_150 : i32
        %dma_start3A_152 = tpu.memref_slice %arg2[%add3A_151] : memref<322560xi32, #tpu.memory_space<hbm>> -> memref<112xi32, #tpu.memory_space<hbm>>
        %dma_start3A_153 = tpu.memref_slice %arg2[%add3A_151] : memref<322560xi32, #tpu.memory_space<hbm>> -> memref<112xi32, #tpu.memory_space<hbm>>
        tpu.enqueue_dma source(%dma_start3A_153 : memref<112xi32, #tpu.memory_space<hbm>>) target(%arg8 : memref<112xi32, #tpu.memory_space<vmem>>) target_semaphore(%arg18 : memref<!tpu.dma_semaphore, #tpu.memory_space<semaphore_mem>>)
        %dma_start3A_154 = tpu.memref_slice %arg3[%add3A_151] : memref<322560xi32, #tpu.memory_space<hbm>> -> memref<112xi32, #tpu.memory_space<hbm>>
        %dma_start3A_155 = tpu.memref_slice %arg3[%add3A_151] : memref<322560xi32, #tpu.memory_space<hbm>> -> memref<112xi32, #tpu.memory_space<hbm>>
        tpu.enqueue_dma source(%dma_start3A_155 : memref<112xi32, #tpu.memory_space<hbm>>) target(%arg11 : memref<112xi32, #tpu.memory_space<vmem>>) target_semaphore(%arg18 : memref<!tpu.dma_semaphore, #tpu.memory_space<semaphore_mem>>)
      } else {
      }
      %dma_wait3A_134 = arith.constant 0 : i32
      %dma_wait3A_135 = arith.constant 0 : i32
      %dma_wait3A_136 = tpu.memref_slice %arg16[%dma_wait3A_134, %dma_wait3A_135] : memref<10240x128xf32, #tpu.memory_space<vmem_shared>> -> memref<10240x128xf32, #tpu.memory_space<vmem_shared>>
      tpu.wait_indirect_dma semaphore(%arg25 : memref<!tpu.dma_semaphore, #tpu.memory_space<semaphore_mem>>) src(%arg15 : memref<112x128xf32, #tpu.memory_space<vmem>>) dst(%dma_wait3A_136 : memref<10240x128xf32, #tpu.memory_space<vmem_shared>>)
      %add3A_137 = arith.constant 3 : i32
      %add3A_138 = arith.addi %mul3A_64, %add3A_137 : i32
      %add3A_139 = arith.constant 2 : i32
      %add3A_140 = arith.addi %add3A_138, %add3A_139 : i32
      %lt3A_141 = arith.cmpi slt, %add3A_140, %select_n3A : i32
      %convert_element_type3A_142 = arith.extui %lt3A_141 : i1 to i32
      %cond3A_143 = arith.constant 0 : i32
      %cond3A_144 = arith.cmpi ne, %convert_element_type3A_142, %cond3A_143 : i32
      scf.if %cond3A_144 {
        %add3A_145 = arith.constant 3 : i32
        %add3A_146 = arith.addi %mul3A_64, %add3A_145 : i32
        %add3A_147 = arith.constant 2 : i32
        %add3A_148 = arith.addi %add3A_146, %add3A_147 : i32
        %mul3A_149 = arith.constant 112 : i32
        %mul3A_150 = arith.muli %add3A_148, %mul3A_149 : i32
        %add3A_151 = arith.addi %mul3A_10, %mul3A_150 : i32
        %dma_start3A_152 = tpu.memref_slice %arg2[%add3A_151] : memref<322560xi32, #tpu.memory_space<hbm>> -> memref<112xi32, #tpu.memory_space<hbm>>
        %dma_start3A_153 = tpu.memref_slice %arg2[%add3A_151] : memref<322560xi32, #tpu.memory_space<hbm>> -> memref<112xi32, #tpu.memory_space<hbm>>
        tpu.enqueue_dma source(%dma_start3A_153 : memref<112xi32, #tpu.memory_space<hbm>>) target(%arg9 : memref<112xi32, #tpu.memory_space<vmem>>) target_semaphore(%arg19 : memref<!tpu.dma_semaphore, #tpu.memory_space<semaphore_mem>>)
        %dma_start3A_154 = tpu.memref_slice %arg3[%add3A_151] : memref<322560xi32, #tpu.memory_space<hbm>> -> memref<112xi32, #tpu.memory_space<hbm>>
        %dma_start3A_155 = tpu.memref_slice %arg3[%add3A_151] : memref<322560xi32, #tpu.memory_space<hbm>> -> memref<112xi32, #tpu.memory_space<hbm>>
        tpu.enqueue_dma source(%dma_start3A_155 : memref<112xi32, #tpu.memory_space<hbm>>) target(%arg12 : memref<112xi32, #tpu.memory_space<vmem>>) target_semaphore(%arg19 : memref<!tpu.dma_semaphore, #tpu.memory_space<semaphore_mem>>)
      } else {
      }
    }
    %while3A_56 = arith.constant 1 : i32
    scf.for %while3A_62 = %while3A_54 to %while3A_50 step %while3A_56  : i32 {
      %mul3A_63 = arith.constant 3 : i32
      %mul3A_64 = arith.muli %mul3A_63, %while3A_62 : i32
      %dma_wait3A = arith.constant 0 : i32
      %dma_wait3A_65 = tpu.memref_slice %arg2[%dma_wait3A] : memref<322560xi32, #tpu.memory_space<hbm>> -> memref<112xi32, #tpu.memory_space<hbm>>
      %dma_wait3A_66 = arith.constant 0 : i32
      %dma_wait3A_67 = tpu.memref_slice %arg2[%dma_wait3A_66] : memref<322560xi32, #tpu.memory_space<hbm>> -> memref<112xi32, #tpu.memory_space<hbm>>
      tpu.wait_dma2 semaphore(%arg17 : memref<!tpu.dma_semaphore, #tpu.memory_space<semaphore_mem>>) src(%dma_wait3A_67 : memref<112xi32, #tpu.memory_space<hbm>>) dst(%arg7 : memref<112xi32, #tpu.memory_space<vmem>>)
      %dma_wait3A_68 = arith.constant 0 : i32
      %dma_wait3A_69 = tpu.memref_slice %arg3[%dma_wait3A_68] : memref<322560xi32, #tpu.memory_space<hbm>> -> memref<112xi32, #tpu.memory_space<hbm>>
      %dma_wait3A_70 = arith.constant 0 : i32
      %dma_wait3A_71 = tpu.memref_slice %arg3[%dma_wait3A_70] : memref<322560xi32, #tpu.memory_space<hbm>> -> memref<112xi32, #tpu.memory_space<hbm>>
      tpu.wait_dma2 semaphore(%arg17 : memref<!tpu.dma_semaphore, #tpu.memory_space<semaphore_mem>>) src(%dma_wait3A_71 : memref<112xi32, #tpu.memory_space<hbm>>) dst(%arg10 : memref<112xi32, #tpu.memory_space<vmem>>)
      %dma_start3A_72 = arith.constant 0 : i32
      %dma_start3A_73 = arith.constant 0 : i32
      %dma_start3A_74 = tpu.memref_slice %arg4[%dma_start3A_72, %dma_start3A_73] : memref<10240x128xf32, #tpu.memory_space<hbm>> -> memref<10240x128xf32, #tpu.memory_space<hbm>>
      tpu.enqueue_indirect_dma source(%dma_start3A_74 : memref<10240x128xf32, #tpu.memory_space<hbm>>) target(%arg13 : memref<112x128xf32, #tpu.memory_space<vmem>>) offsets(%arg7 : memref<112xi32, #tpu.memory_space<vmem>>) semaphore(%arg20 : memref<!tpu.dma_semaphore, #tpu.memory_space<semaphore_mem>>)
      %dma_wait3A_75 = arith.constant 0 : i32
      %dma_wait3A_76 = tpu.memref_slice %arg2[%dma_wait3A_75] : memref<322560xi32, #tpu.memory_space<hbm>> -> memref<112xi32, #tpu.memory_space<hbm>>
      %dma_wait3A_77 = arith.constant 0 : i32
      %dma_wait3A_78 = tpu.memref_slice %arg2[%dma_wait3A_77] : memref<322560xi32, #tpu.memory_space<hbm>> -> memref<112xi32, #tpu.memory_space<hbm>>
      tpu.wait_dma2 semaphore(%arg18 : memref<!tpu.dma_semaphore, #tpu.memory_space<semaphore_mem>>) src(%dma_wait3A_78 : memref<112xi32, #tpu.memory_space<hbm>>) dst(%arg8 : memref<112xi32, #tpu.memory_space<vmem>>)
      %dma_wait3A_79 = arith.constant 0 : i32
      %dma_wait3A_80 = tpu.memref_slice %arg3[%dma_wait3A_79] : memref<322560xi32, #tpu.memory_space<hbm>> -> memref<112xi32, #tpu.memory_space<hbm>>
      %dma_wait3A_81 = arith.constant 0 : i32
      %dma_wait3A_82 = tpu.memref_slice %arg3[%dma_wait3A_81] : memref<322560xi32, #tpu.memory_space<hbm>> -> memref<112xi32, #tpu.memory_space<hbm>>
      tpu.wait_dma2 semaphore(%arg18 : memref<!tpu.dma_semaphore, #tpu.memory_space<semaphore_mem>>) src(%dma_wait3A_82 : memref<112xi32, #tpu.memory_space<hbm>>) dst(%arg11 : memref<112xi32, #tpu.memory_space<vmem>>)
      %dma_start3A_83 = arith.constant 0 : i32
      %dma_start3A_84 = arith.constant 0 : i32
      %dma_start3A_85 = tpu.memref_slice %arg4[%dma_start3A_83, %dma_start3A_84] : memref<10240x128xf32, #tpu.memory_space<hbm>> -> memref<10240x128xf32, #tpu.memory_space<hbm>>
      tpu.enqueue_indirect_dma source(%dma_start3A_85 : memref<10240x128xf32, #tpu.memory_space<hbm>>) target(%arg14 : memref<112x128xf32, #tpu.memory_space<vmem>>) offsets(%arg8 : memref<112xi32, #tpu.memory_space<vmem>>) semaphore(%arg21 : memref<!tpu.dma_semaphore, #tpu.memory_space<semaphore_mem>>)
      %dma_wait3A_86 = arith.constant 0 : i32
      %dma_wait3A_87 = tpu.memref_slice %arg2[%dma_wait3A_86] : memref<322560xi32, #tpu.memory_space<hbm>> -> memref<112xi32, #tpu.memory_space<hbm>>
      %dma_wait3A_88 = arith.constant 0 : i32
      %dma_wait3A_89 = tpu.memref_slice %arg2[%dma_wait3A_88] : memref<322560xi32, #tpu.memory_space<hbm>> -> memref<112xi32, #tpu.memory_space<hbm>>
      tpu.wait_dma2 semaphore(%arg19 : memref<!tpu.dma_semaphore, #tpu.memory_space<semaphore_mem>>) src(%dma_wait3A_89 : memref<112xi32, #tpu.memory_space<hbm>>) dst(%arg9 : memref<112xi32, #tpu.memory_space<vmem>>)
      %dma_wait3A_90 = arith.constant 0 : i32
      %dma_wait3A_91 = tpu.memref_slice %arg3[%dma_wait3A_90] : memref<322560xi32, #tpu.memory_space<hbm>> -> memref<112xi32, #tpu.memory_space<hbm>>
      %dma_wait3A_92 = arith.constant 0 : i32
      %dma_wait3A_93 = tpu.memref_slice %arg3[%dma_wait3A_92] : memref<322560xi32, #tpu.memory_space<hbm>> -> memref<112xi32, #tpu.memory_space<hbm>>
      tpu.wait_dma2 semaphore(%arg19 : memref<!tpu.dma_semaphore, #tpu.memory_space<semaphore_mem>>) src(%dma_wait3A_93 : memref<112xi32, #tpu.memory_space<hbm>>) dst(%arg12 : memref<112xi32, #tpu.memory_space<vmem>>)
      %dma_start3A_94 = arith.constant 0 : i32
      %dma_start3A_95 = arith.constant 0 : i32
      %dma_start3A_96 = tpu.memref_slice %arg4[%dma_start3A_94, %dma_start3A_95] : memref<10240x128xf32, #tpu.memory_space<hbm>> -> memref<10240x128xf32, #tpu.memory_space<hbm>>
      tpu.enqueue_indirect_dma source(%dma_start3A_96 : memref<10240x128xf32, #tpu.memory_space<hbm>>) target(%arg15 : memref<112x128xf32, #tpu.memory_space<vmem>>) offsets(%arg9 : memref<112xi32, #tpu.memory_space<vmem>>) semaphore(%arg22 : memref<!tpu.dma_semaphore, #tpu.memory_space<semaphore_mem>>)
      %dma_wait3A_97 = arith.constant 0 : i32
      %dma_wait3A_98 = arith.constant 0 : i32
      %dma_wait3A_99 = tpu.memref_slice %arg4[%dma_wait3A_97, %dma_wait3A_98] : memref<10240x128xf32, #tpu.memory_space<hbm>> -> memref<10240x128xf32, #tpu.memory_space<hbm>>
      tpu.wait_indirect_dma semaphore(%arg20 : memref<!tpu.dma_semaphore, #tpu.memory_space<semaphore_mem>>) src(%dma_wait3A_99 : memref<10240x128xf32, #tpu.memory_space<hbm>>) dst(%arg13 : memref<112x128xf32, #tpu.memory_space<vmem>>)
      %dma_start3A_100 = arith.constant 0 : i32
      %dma_start3A_101 = arith.constant 0 : i32
      %dma_start3A_102 = tpu.memref_slice %arg16[%dma_start3A_100, %dma_start3A_101] : memref<10240x128xf32, #tpu.memory_space<vmem_shared>> -> memref<10240x128xf32, #tpu.memory_space<vmem_shared>>
      tpu.enqueue_indirect_dma source(%arg13 : memref<112x128xf32, #tpu.memory_space<vmem>>) target(%dma_start3A_102 : memref<10240x128xf32, #tpu.memory_space<vmem_shared>>) offsets(%arg10 : memref<112xi32, #tpu.memory_space<vmem>>) semaphore(%arg23 : memref<!tpu.dma_semaphore, #tpu.memory_space<semaphore_mem>>) {add = true}
      %dma_wait3A_103 = arith.constant 0 : i32
      %dma_wait3A_104 = arith.constant 0 : i32
      %dma_wait3A_105 = tpu.memref_slice %arg4[%dma_wait3A_103, %dma_wait3A_104] : memref<10240x128xf32, #tpu.memory_space<hbm>> -> memref<10240x128xf32, #tpu.memory_space<hbm>>
      tpu.wait_indirect_dma semaphore(%arg21 : memref<!tpu.dma_semaphore, #tpu.memory_space<semaphore_mem>>) src(%dma_wait3A_105 : memref<10240x128xf32, #tpu.memory_space<hbm>>) dst(%arg14 : memref<112x128xf32, #tpu.memory_space<vmem>>)
      %dma_start3A_106 = arith.constant 0 : i32
      %dma_start3A_107 = arith.constant 0 : i32
      %dma_start3A_108 = tpu.memref_slice %arg16[%dma_start3A_106, %dma_start3A_107] : memref<10240x128xf32, #tpu.memory_space<vmem_shared>> -> memref<10240x128xf32, #tpu.memory_space<vmem_shared>>
      tpu.enqueue_indirect_dma source(%arg14 : memref<112x128xf32, #tpu.memory_space<vmem>>) target(%dma_start3A_108 : memref<10240x128xf32, #tpu.memory_space<vmem_shared>>) offsets(%arg11 : memref<112xi32, #tpu.memory_space<vmem>>) semaphore(%arg24 : memref<!tpu.dma_semaphore, #tpu.memory_space<semaphore_mem>>) {add = true}
      %dma_wait3A_109 = arith.constant 0 : i32
      %dma_wait3A_110 = arith.constant 0 : i32
      %dma_wait3A_111 = tpu.memref_slice %arg4[%dma_wait3A_109, %dma_wait3A_110] : memref<10240x128xf32, #tpu.memory_space<hbm>> -> memref<10240x128xf32, #tpu.memory_space<hbm>>
      tpu.wait_indirect_dma semaphore(%arg22 : memref<!tpu.dma_semaphore, #tpu.memory_space<semaphore_mem>>) src(%dma_wait3A_111 : memref<10240x128xf32, #tpu.memory_space<hbm>>) dst(%arg15 : memref<112x128xf32, #tpu.memory_space<vmem>>)
      %dma_start3A_112 = arith.constant 0 : i32
      %dma_start3A_113 = arith.constant 0 : i32
      %dma_start3A_114 = tpu.memref_slice %arg16[%dma_start3A_112, %dma_start3A_113] : memref<10240x128xf32, #tpu.memory_space<vmem_shared>> -> memref<10240x128xf32, #tpu.memory_space<vmem_shared>>
      tpu.enqueue_indirect_dma source(%arg15 : memref<112x128xf32, #tpu.memory_space<vmem>>) target(%dma_start3A_114 : memref<10240x128xf32, #tpu.memory_space<vmem_shared>>) offsets(%arg12 : memref<112xi32, #tpu.memory_space<vmem>>) semaphore(%arg25 : memref<!tpu.dma_semaphore, #tpu.memory_space<semaphore_mem>>) {add = true}
      %dma_wait3A_115 = arith.constant 0 : i32
      %dma_wait3A_116 = arith.constant 0 : i32
      %dma_wait3A_117 = tpu.memref_slice %arg16[%dma_wait3A_115, %dma_wait3A_116] : memref<10240x128xf32, #tpu.memory_space<vmem_shared>> -> memref<10240x128xf32, #tpu.memory_space<vmem_shared>>
      tpu.wait_indirect_dma semaphore(%arg23 : memref<!tpu.dma_semaphore, #tpu.memory_space<semaphore_mem>>) src(%arg13 : memref<112x128xf32, #tpu.memory_space<vmem>>) dst(%dma_wait3A_117 : memref<10240x128xf32, #tpu.memory_space<vmem_shared>>)
      %add3A_118 = arith.constant 3 : i32
      %add3A_119 = arith.addi %mul3A_64, %add3A_118 : i32
      %add3A_120 = arith.constant 0 : i32
      %add3A_121 = arith.addi %add3A_119, %add3A_120 : i32
      %lt3A = arith.cmpi slt, %add3A_121, %select_n3A : i32
      %convert_element_type3A = arith.extui %lt3A : i1 to i32
      %cond3A = arith.constant 0 : i32
      %cond3A_122 = arith.cmpi ne, %convert_element_type3A, %cond3A : i32
      scf.if %cond3A_122 {
        %add3A_145 = arith.constant 3 : i32
        %add3A_146 = arith.addi %mul3A_64, %add3A_145 : i32
        %add3A_147 = arith.constant 0 : i32
        %add3A_148 = arith.addi %add3A_146, %add3A_147 : i32
        %mul3A_149 = arith.constant 112 : i32
        %mul3A_150 = arith.muli %add3A_148, %mul3A_149 : i32
        %add3A_151 = arith.addi %mul3A_10, %mul3A_150 : i32
        %dma_start3A_152 = tpu.memref_slice %arg2[%add3A_151] : memref<322560xi32, #tpu.memory_space<hbm>> -> memref<112xi32, #tpu.memory_space<hbm>>
        %dma_start3A_153 = tpu.memref_slice %arg2[%add3A_151] : memref<322560xi32, #tpu.memory_space<hbm>> -> memref<112xi32, #tpu.memory_space<hbm>>
        tpu.enqueue_dma source(%dma_start3A_153 : memref<112xi32, #tpu.memory_space<hbm>>) target(%arg7 : memref<112xi32, #tpu.memory_space<vmem>>) target_semaphore(%arg17 : memref<!tpu.dma_semaphore, #tpu.memory_space<semaphore_mem>>)
        %dma_start3A_154 = tpu.memref_slice %arg3[%add3A_151] : memref<322560xi32, #tpu.memory_space<hbm>> -> memref<112xi32, #tpu.memory_space<hbm>>
        %dma_start3A_155 = tpu.memref_slice %arg3[%add3A_151] : memref<322560xi32, #tpu.memory_space<hbm>> -> memref<112xi32, #tpu.memory_space<hbm>>
        tpu.enqueue_dma source(%dma_start3A_155 : memref<112xi32, #tpu.memory_space<hbm>>) target(%arg10 : memref<112xi32, #tpu.memory_space<vmem>>) target_semaphore(%arg17 : memref<!tpu.dma_semaphore, #tpu.memory_space<semaphore_mem>>)
      } else {
      }
      %dma_wait3A_123 = arith.constant 0 : i32
      %dma_wait3A_124 = arith.constant 0 : i32
      %dma_wait3A_125 = tpu.memref_slice %arg16[%dma_wait3A_123, %dma_wait3A_124] : memref<10240x128xf32, #tpu.memory_space<vmem_shared>> -> memref<10240x128xf32, #tpu.memory_space<vmem_shared>>
      tpu.wait_indirect_dma semaphore(%arg24 : memref<!tpu.dma_semaphore, #tpu.memory_space<semaphore_mem>>) src(%arg14 : memref<112x128xf32, #tpu.memory_space<vmem>>) dst(%dma_wait3A_125 : memref<10240x128xf32, #tpu.memory_space<vmem_shared>>)
      %add3A_126 = arith.constant 3 : i32
      %add3A_127 = arith.addi %mul3A_64, %add3A_126 : i32
      %add3A_128 = arith.constant 1 : i32
      %add3A_129 = arith.addi %add3A_127, %add3A_128 : i32
      %lt3A_130 = arith.cmpi slt, %add3A_129, %select_n3A : i32
      %convert_element_type3A_131 = arith.extui %lt3A_130 : i1 to i32
      %cond3A_132 = arith.constant 0 : i32
      %cond3A_133 = arith.cmpi ne, %convert_element_type3A_131, %cond3A_132 : i32
      scf.if %cond3A_133 {
        %add3A_145 = arith.constant 3 : i32
        %add3A_146 = arith.addi %mul3A_64, %add3A_145 : i32
        %add3A_147 = arith.constant 1 : i32
        %add3A_148 = arith.addi %add3A_146, %add3A_147 : i32
        %mul3A_149 = arith.constant 112 : i32
        %mul3A_150 = arith.muli %add3A_148, %mul3A_149 : i32
        %add3A_151 = arith.addi %mul3A_10, %mul3A_150 : i32
        %dma_start3A_152 = tpu.memref_slice %arg2[%add3A_151] : memref<322560xi32, #tpu.memory_space<hbm>> -> memref<112xi32, #tpu.memory_space<hbm>>
        %dma_start3A_153 = tpu.memref_slice %arg2[%add3A_151] : memref<322560xi32, #tpu.memory_space<hbm>> -> memref<112xi32, #tpu.memory_space<hbm>>
        tpu.enqueue_dma source(%dma_start3A_153 : memref<112xi32, #tpu.memory_space<hbm>>) target(%arg8 : memref<112xi32, #tpu.memory_space<vmem>>) target_semaphore(%arg18 : memref<!tpu.dma_semaphore, #tpu.memory_space<semaphore_mem>>)
        %dma_start3A_154 = tpu.memref_slice %arg3[%add3A_151] : memref<322560xi32, #tpu.memory_space<hbm>> -> memref<112xi32, #tpu.memory_space<hbm>>
        %dma_start3A_155 = tpu.memref_slice %arg3[%add3A_151] : memref<322560xi32, #tpu.memory_space<hbm>> -> memref<112xi32, #tpu.memory_space<hbm>>
        tpu.enqueue_dma source(%dma_start3A_155 : memref<112xi32, #tpu.memory_space<hbm>>) target(%arg11 : memref<112xi32, #tpu.memory_space<vmem>>) target_semaphore(%arg18 : memref<!tpu.dma_semaphore, #tpu.memory_space<semaphore_mem>>)
      } else {
      }
      %dma_wait3A_134 = arith.constant 0 : i32
      %dma_wait3A_135 = arith.constant 0 : i32
      %dma_wait3A_136 = tpu.memref_slice %arg16[%dma_wait3A_134, %dma_wait3A_135] : memref<10240x128xf32, #tpu.memory_space<vmem_shared>> -> memref<10240x128xf32, #tpu.memory_space<vmem_shared>>
      tpu.wait_indirect_dma semaphore(%arg25 : memref<!tpu.dma_semaphore, #tpu.memory_space<semaphore_mem>>) src(%arg15 : memref<112x128xf32, #tpu.memory_space<vmem>>) dst(%dma_wait3A_136 : memref<10240x128xf32, #tpu.memory_space<vmem_shared>>)
      %add3A_137 = arith.constant 3 : i32
      %add3A_138 = arith.addi %mul3A_64, %add3A_137 : i32
      %add3A_139 = arith.constant 2 : i32
      %add3A_140 = arith.addi %add3A_138, %add3A_139 : i32
      %lt3A_141 = arith.cmpi slt, %add3A_140, %select_n3A : i32
      %convert_element_type3A_142 = arith.extui %lt3A_141 : i1 to i32
      %cond3A_143 = arith.constant 0 : i32
      %cond3A_144 = arith.cmpi ne, %convert_element_type3A_142, %cond3A_143 : i32
      scf.if %cond3A_144 {
        %add3A_145 = arith.constant 3 : i32
        %add3A_146 = arith.addi %mul3A_64, %add3A_145 : i32
        %add3A_147 = arith.constant 2 : i32
        %add3A_148 = arith.addi %add3A_146, %add3A_147 : i32
        %mul3A_149 = arith.constant 112 : i32
        %mul3A_150 = arith.muli %add3A_148, %mul3A_149 : i32
        %add3A_151 = arith.addi %mul3A_10, %mul3A_150 : i32
        %dma_start3A_152 = tpu.memref_slice %arg2[%add3A_151] : memref<322560xi32, #tpu.memory_space<hbm>> -> memref<112xi32, #tpu.memory_space<hbm>>
        %dma_start3A_153 = tpu.memref_slice %arg2[%add3A_151] : memref<322560xi32, #tpu.memory_space<hbm>> -> memref<112xi32, #tpu.memory_space<hbm>>
        tpu.enqueue_dma source(%dma_start3A_153 : memref<112xi32, #tpu.memory_space<hbm>>) target(%arg9 : memref<112xi32, #tpu.memory_space<vmem>>) target_semaphore(%arg19 : memref<!tpu.dma_semaphore, #tpu.memory_space<semaphore_mem>>)
        %dma_start3A_154 = tpu.memref_slice %arg3[%add3A_151] : memref<322560xi32, #tpu.memory_space<hbm>> -> memref<112xi32, #tpu.memory_space<hbm>>
        %dma_start3A_155 = tpu.memref_slice %arg3[%add3A_151] : memref<322560xi32, #tpu.memory_space<hbm>> -> memref<112xi32, #tpu.memory_space<hbm>>
        tpu.enqueue_dma source(%dma_start3A_155 : memref<112xi32, #tpu.memory_space<hbm>>) target(%arg12 : memref<112xi32, #tpu.memory_space<vmem>>) target_semaphore(%arg19 : memref<!tpu.dma_semaphore, #tpu.memory_space<semaphore_mem>>)
      } else {
      }
    }
    %barrier3A_57 = arith.constant 0 : index
    tpu.barrier barrier_id(%barrier3A_57)
    %mul3A_58 = arith.constant 640 : i32
    %mul3A_59 = arith.muli %arg1, %mul3A_58 : i32
    %mul3A_60 = arith.constant 640 : i32
    %mul3A_61 = arith.muli %arg1, %mul3A_60 : i32
    "tpu.region"() ({
      %run_scoped3A = tpu.sem_alloc : memref<!tpu.dma_semaphore, #tpu.memory_space<semaphore_mem>>
      %dma_start3A_62 = arith.constant 0 : i32
      %dma_start3A_63 = tpu.memref_slice %arg6[%arg0, %mul3A_61, %dma_start3A_62] : memref<2x10240x128xf32, #tpu.memory_space<hbm>> -> memref<1x640x128xf32, #tpu.memory_space<hbm>>
      %dma_start3A_64 = tpu.memref_squeeze %dma_start3A_63 : memref<1x640x128xf32, #tpu.memory_space<hbm>> -> memref<640x128xf32, #tpu.memory_space<hbm>>
      %dma_start3A_65 = arith.constant 0 : i32
      %dma_start3A_66 = tpu.memref_slice %arg16[%mul3A_59, %dma_start3A_65] : memref<10240x128xf32, #tpu.memory_space<vmem_shared>> -> memref<640x128xf32, #tpu.memory_space<vmem_shared>>
      tpu.enqueue_dma source(%dma_start3A_66 : memref<640x128xf32, #tpu.memory_space<vmem_shared>>) target(%dma_start3A_64 : memref<640x128xf32, #tpu.memory_space<hbm>>) target_semaphore(%run_scoped3A : memref<!tpu.dma_semaphore, #tpu.memory_space<semaphore_mem>>)
      %dma_wait3A = arith.constant 0 : i32
      %dma_wait3A_67 = tpu.memref_slice %arg6[%arg0, %mul3A_61, %dma_wait3A] : memref<2x10240x128xf32, #tpu.memory_space<hbm>> -> memref<1x640x128xf32, #tpu.memory_space<hbm>>
      %dma_wait3A_68 = tpu.memref_squeeze %dma_wait3A_67 : memref<1x640x128xf32, #tpu.memory_space<hbm>> -> memref<640x128xf32, #tpu.memory_space<hbm>>
      %dma_wait3A_69 = arith.constant 0 : i32
      %dma_wait3A_70 = tpu.memref_slice %arg16[%mul3A_59, %dma_wait3A_69] : memref<10240x128xf32, #tpu.memory_space<vmem_shared>> -> memref<640x128xf32, #tpu.memory_space<vmem_shared>>
      tpu.wait_dma2 semaphore(%run_scoped3A : memref<!tpu.dma_semaphore, #tpu.memory_space<semaphore_mem>>) src(%dma_wait3A_70 : memref<640x128xf32, #tpu.memory_space<vmem_shared>>) dst(%dma_wait3A_68 : memref<640x128xf32, #tpu.memory_space<hbm>>)
      tpu.yield
    }) : () -> ()
    return
  }
}

module attributes {stable_mosaic.version = 14 : i64} {
  func.func @_tc_a_body(%arg0: i32, %arg1: memref<2x2048x128xf32, #tpu.memory_space<vmem>>, %arg2: memref<2048x128xf32, #tpu.memory_space<vmem>>, %arg3: memref<128x128xf32, #tpu.memory_space<vmem>>, %arg4: memref<2048x128xf32, #tpu.memory_space<vmem>>) attributes {dimension_semantics = [#tpu.dimension_semantics<arbitrary>], iteration_bounds = array<i64: 5>, scalar_prefetch = 0 : i64, scratch_operands = 0 : i64, tpu.core_type = #tpu.core_type<tc>, window_params = [{transform_indices = @transform_0, window_bounds = array<i64: 2, 2048, 128>}, {transform_indices = @transform_1, window_bounds = array<i64: 2048, 128>}, {pipeline_mode = #tpu.pipeline_mode<synchronous>, transform_indices = @transform_2, window_bounds = array<i64: 128, 128>}, {transform_indices = @transform_3, window_bounds = array<i64: 2048, 128>}]} {
    %get3A = arith.constant 0 : index
    %get3A_0 = arith.constant 0 : index
    %get3A_1 = arith.constant 0 : index
    %get3A_2 = vector.load %arg1[%get3A, %get3A_0, %get3A_1] : memref<2x2048x128xf32, #tpu.memory_space<vmem>>, vector<2x2048x128xf32>
    %reduce_sum3A = arith.constant dense<0.000000e+00> : vector<2048x128xf32>
    %reduce_sum3A_3 = vector.multi_reduction <add>, %get3A_2, %reduce_sum3A [0] : vector<2x2048x128xf32> to vector<2048x128xf32>
    %reduce_sum3A_4 = arith.constant dense<0.000000e+00> : vector<2048xf32>
    %reduce_sum3A_5 = vector.multi_reduction <add>, %reduce_sum3A_3, %reduce_sum3A_4 [1] : vector<2048x128xf32> to vector<2048xf32>
    %broadcast_in_dim3A = vector.shape_cast %reduce_sum3A_5 : vector<2048xf32> to vector<2048x1xf32>
    %mul3A = arith.constant 7.812500e-03 : f32
    %mul3A_6 = vector.broadcast %mul3A : f32 to vector<2048x1xf32>
    %mul3A_7 = arith.mulf %broadcast_in_dim3A, %mul3A_6 : vector<2048x1xf32>
    %add3A = arith.constant 1.000000e+00 : f32
    %add3A_8 = vector.broadcast %add3A : f32 to vector<2048x1xf32>
    %add3A_9 = arith.addf %mul3A_7, %add3A_8 : vector<2048x1xf32>
    %rsqrt3A = math.rsqrt %add3A_9 : vector<2048x1xf32>
    %get3A_10 = arith.constant 0 : index
    %get3A_11 = arith.constant 0 : index
    %get3A_12 = vector.load %arg2[%get3A_10, %get3A_11] : memref<2048x128xf32, #tpu.memory_space<vmem>>, vector<2048x128xf32>
    %get3A_13 = arith.constant 0 : index
    %get3A_14 = arith.constant 0 : index
    %get3A_15 = vector.load %arg3[%get3A_13, %get3A_14] : memref<128x128xf32, #tpu.memory_space<vmem>>, vector<128x128xf32>
    %dot_general3A = arith.constant dense<0.000000e+00> : vector<2048x128xf32>
    %dot_general3A_16 = tpu.matmul %get3A_12, %get3A_15, %dot_general3A {dimension_numbers = #tpu.dot_dimension_numbers<[1], [0], [0], [1], [0, 0, 1, 1], [], []>, transpose_lhs_hint = false} : vector<2048x128xf32>, vector<128x128xf32>, vector<2048x128xf32> -> vector<2048x128xf32>
    %mul3A_17 = vector.broadcast %rsqrt3A : vector<2048x1xf32> to vector<2048x128xf32>
    %mul3A_18 = arith.mulf %dot_general3A_16, %mul3A_17 : vector<2048x128xf32>
    %swap3A = arith.constant 0 : index
    %swap3A_19 = arith.constant 0 : index
    %swap3A_20 = vector.load %arg4[%swap3A, %swap3A_19] : memref<2048x128xf32, #tpu.memory_space<vmem>>, vector<2048x128xf32>
    tpu.vector_store %arg4[%swap3A, %swap3A_19], %mul3A_18 {strides = array<i32>} : memref<2048x128xf32, #tpu.memory_space<vmem>>, vector<2048x128xf32>,
    return
  }
  func.func @transform_0(%arg0: i32) -> (i32, i32, i32) {
    %c0_i32 = arith.constant 0 : i32
    %c0_i32_0 = arith.constant 0 : i32
    %c0_i32_1 = arith.constant 0 : i32
    return %c0_i32, %arg0, %c0_i32_0 : i32, i32, i32
  }
  func.func @transform_1(%arg0: i32) -> (i32, i32) {
    %c0_i32 = arith.constant 0 : i32
    %c0_i32_0 = arith.constant 0 : i32
    return %arg0, %c0_i32 : i32, i32
  }
  func.func @transform_2(%arg0: i32) -> (i32, i32) {
    %c0_i32 = arith.constant 0 : i32
    %c0_i32_0 = arith.constant 0 : i32
    %c0_i32_1 = arith.constant 0 : i32
    return %c0_i32, %c0_i32_0 : i32, i32
  }
  func.func @transform_3(%arg0: i32) -> (i32, i32) {
    %c0_i32 = arith.constant 0 : i32
    %c0_i32_0 = arith.constant 0 : i32
    return %arg0, %c0_i32 : i32, i32
  }
}

module attributes {stable_mosaic.version = 14 : i64} {
  func.func @_tc_b_body(%arg0: i32, %arg1: memref<2x2048x128xf32, #tpu.memory_space<vmem>>, %arg2: memref<2x2048x128xf32, #tpu.memory_space<vmem>>, %arg3: memref<2048x128xf32, #tpu.memory_space<vmem>>, %arg4: memref<1x128xf32, #tpu.memory_space<vmem>>, %arg5: memref<128x128xf32, #tpu.memory_space<vmem>>, %arg6: memref<2048x128xf32, #tpu.memory_space<vmem>>) attributes {dimension_semantics = [#tpu.dimension_semantics<arbitrary>], iteration_bounds = array<i64: 5>, scalar_prefetch = 0 : i64, scratch_operands = 0 : i64, tpu.core_type = #tpu.core_type<tc>, window_params = [{transform_indices = @transform_0, window_bounds = array<i64: 2, 2048, 128>}, {transform_indices = @transform_1, window_bounds = array<i64: 2, 2048, 128>}, {transform_indices = @transform_2, window_bounds = array<i64: 2048, 128>}, {pipeline_mode = #tpu.pipeline_mode<synchronous>, transform_indices = @transform_3, window_bounds = array<i64: 1, 128>}, {pipeline_mode = #tpu.pipeline_mode<synchronous>, transform_indices = @transform_4, window_bounds = array<i64: 128, 128>}, {transform_indices = @transform_5, window_bounds = array<i64: 2048, 128>}]} {
    %get3A = arith.constant 0 : index
    %get3A_0 = arith.constant 0 : index
    %get3A_1 = arith.constant 0 : index
    %get3A_2 = vector.load %arg1[%get3A, %get3A_0, %get3A_1] : memref<2x2048x128xf32, #tpu.memory_space<vmem>>, vector<2x2048x128xf32>
    %reduce_sum3A = arith.constant dense<0.000000e+00> : vector<2048x128xf32>
    %reduce_sum3A_3 = vector.multi_reduction <add>, %get3A_2, %reduce_sum3A [0] : vector<2x2048x128xf32> to vector<2048x128xf32>
    %reduce_sum3A_4 = arith.constant dense<0.000000e+00> : vector<2048xf32>
    %reduce_sum3A_5 = vector.multi_reduction <add>, %reduce_sum3A_3, %reduce_sum3A_4 [1] : vector<2048x128xf32> to vector<2048xf32>
    %broadcast_in_dim3A = vector.shape_cast %reduce_sum3A_5 : vector<2048xf32> to vector<2048x1xf32>
    %mul3A = arith.constant 7.812500e-03 : f32
    %mul3A_6 = vector.broadcast %mul3A : f32 to vector<2048x1xf32>
    %mul3A_7 = arith.mulf %broadcast_in_dim3A, %mul3A_6 : vector<2048x1xf32>
    %add3A = arith.constant 1.000000e+00 : f32
    %add3A_8 = vector.broadcast %add3A : f32 to vector<2048x1xf32>
    %add3A_9 = arith.addf %mul3A_7, %add3A_8 : vector<2048x1xf32>
    %rsqrt3A = math.rsqrt %add3A_9 : vector<2048x1xf32>
    %get3A_10 = arith.constant 0 : index
    %get3A_11 = arith.constant 0 : index
    %get3A_12 = arith.constant 0 : index
    %get3A_13 = vector.load %arg2[%get3A_10, %get3A_11, %get3A_12] : memref<2x2048x128xf32, #tpu.memory_space<vmem>>, vector<2x2048x128xf32>
    %slice3A = vector.extract_strided_slice %get3A_13 {offsets = [0, 0, 0], sizes = [1, 2048, 128], strides = [1, 1, 1]} : vector<2x2048x128xf32> to vector<1x2048x128xf32>
    %squeeze3A = vector.shape_cast %slice3A : vector<1x2048x128xf32> to vector<2048x128xf32>
    %slice3A_14 = vector.extract_strided_slice %get3A_13 {offsets = [1, 0, 0], sizes = [1, 2048, 128], strides = [1, 1, 1]} : vector<2x2048x128xf32> to vector<1x2048x128xf32>
    %squeeze3A_15 = vector.shape_cast %slice3A_14 : vector<1x2048x128xf32> to vector<2048x128xf32>
    %add3A_16 = arith.addf %squeeze3A, %squeeze3A_15 : vector<2048x128xf32>
    %get3A_17 = arith.constant 0 : index
    %get3A_18 = arith.constant 0 : index
    %get3A_19 = vector.load %arg3[%get3A_17, %get3A_18] : memref<2048x128xf32, #tpu.memory_space<vmem>>, vector<2048x128xf32>
    %add3A_20 = arith.addf %add3A_16, %get3A_19 : vector<2048x128xf32>
    %mul3A_21 = vector.broadcast %rsqrt3A : vector<2048x1xf32> to vector<2048x128xf32>
    %mul3A_22 = arith.mulf %add3A_20, %mul3A_21 : vector<2048x128xf32>
    %get3A_23 = arith.constant 0 : index
    %get3A_24 = arith.constant 0 : index
    %get3A_25 = vector.load %arg4[%get3A_23, %get3A_24] : memref<1x128xf32, #tpu.memory_space<vmem>>, vector<1x128xf32>
    %add3A_26 = vector.broadcast %get3A_25 : vector<1x128xf32> to vector<2048x128xf32>
    %add3A_27 = arith.addf %mul3A_22, %add3A_26 : vector<2048x128xf32>
    %max3A = arith.constant 0.000000e+00 : f32
    %max3A_28 = vector.broadcast %max3A : f32 to vector<2048x128xf32>
    %max3A_29 = arith.maximumf %add3A_27, %max3A_28 : vector<2048x128xf32>
    %get3A_30 = arith.constant 0 : index
    %get3A_31 = arith.constant 0 : index
    %get3A_32 = vector.load %arg5[%get3A_30, %get3A_31] : memref<128x128xf32, #tpu.memory_space<vmem>>, vector<128x128xf32>
    %dot_general3A = arith.constant dense<0.000000e+00> : vector<2048x128xf32>
    %dot_general3A_33 = tpu.matmul %max3A_29, %get3A_32, %dot_general3A {dimension_numbers = #tpu.dot_dimension_numbers<[1], [0], [0], [1], [0, 0, 1, 1], [], []>, transpose_lhs_hint = false} : vector<2048x128xf32>, vector<128x128xf32>, vector<2048x128xf32> -> vector<2048x128xf32>
    %mul3A_34 = vector.broadcast %rsqrt3A : vector<2048x1xf32> to vector<2048x128xf32>
    %mul3A_35 = arith.mulf %dot_general3A_33, %mul3A_34 : vector<2048x128xf32>
    %swap3A = arith.constant 0 : index
    %swap3A_36 = arith.constant 0 : index
    %swap3A_37 = vector.load %arg6[%swap3A, %swap3A_36] : memref<2048x128xf32, #tpu.memory_space<vmem>>, vector<2048x128xf32>
    tpu.vector_store %arg6[%swap3A, %swap3A_36], %mul3A_35 {strides = array<i32>} : memref<2048x128xf32, #tpu.memory_space<vmem>>, vector<2048x128xf32>,
    return
  }
  func.func @transform_0(%arg0: i32) -> (i32, i32, i32) {
    %c0_i32 = arith.constant 0 : i32
    %c0_i32_0 = arith.constant 0 : i32
    %c0_i32_1 = arith.constant 0 : i32
    return %c0_i32, %arg0, %c0_i32_0 : i32, i32, i32
  }
  func.func @transform_1(%arg0: i32) -> (i32, i32, i32) {
    %c0_i32 = arith.constant 0 : i32
    %c0_i32_0 = arith.constant 0 : i32
    %c0_i32_1 = arith.constant 0 : i32
    return %c0_i32, %arg0, %c0_i32_0 : i32, i32, i32
  }
  func.func @transform_2(%arg0: i32) -> (i32, i32) {
    %c0_i32 = arith.constant 0 : i32
    %c0_i32_0 = arith.constant 0 : i32
    return %arg0, %c0_i32 : i32, i32
  }
  func.func @transform_3(%arg0: i32) -> (i32, i32) {
    %c0_i32 = arith.constant 0 : i32
    %c0_i32_0 = arith.constant 0 : i32
    %c0_i32_1 = arith.constant 0 : i32
    return %c0_i32, %c0_i32_0 : i32, i32
  }
  func.func @transform_4(%arg0: i32) -> (i32, i32) {
    %c0_i32 = arith.constant 0 : i32
    %c0_i32_0 = arith.constant 0 : i32
    %c0_i32_1 = arith.constant 0 : i32
    return %c0_i32, %c0_i32_0 : i32, i32
  }
  func.func @transform_5(%arg0: i32) -> (i32, i32) {
    %c0_i32 = arith.constant 0 : i32
    %c0_i32_0 = arith.constant 0 : i32
    return %arg0, %c0_i32 : i32, i32
  }
}

module attributes {stable_mosaic.version = 14 : i64} {
  func.func @_tc_c_body(%arg0: i32, %arg1: memref<2x2048x128xf32, #tpu.memory_space<vmem>>, %arg2: memref<2x2048x128xf32, #tpu.memory_space<vmem>>, %arg3: memref<2048x128xf32, #tpu.memory_space<vmem>>, %arg4: memref<1x128xf32, #tpu.memory_space<vmem>>, %arg5: memref<2048x128xf32, #tpu.memory_space<vmem>>) attributes {dimension_semantics = [#tpu.dimension_semantics<arbitrary>], iteration_bounds = array<i64: 5>, scalar_prefetch = 0 : i64, scratch_operands = 0 : i64, tpu.core_type = #tpu.core_type<tc>, window_params = [{transform_indices = @transform_0, window_bounds = array<i64: 2, 2048, 128>}, {transform_indices = @transform_1, window_bounds = array<i64: 2, 2048, 128>}, {transform_indices = @transform_2, window_bounds = array<i64: 2048, 128>}, {pipeline_mode = #tpu.pipeline_mode<synchronous>, transform_indices = @transform_3, window_bounds = array<i64: 1, 128>}, {transform_indices = @transform_4, window_bounds = array<i64: 2048, 128>}]} {
    %get3A = arith.constant 0 : index
    %get3A_0 = arith.constant 0 : index
    %get3A_1 = arith.constant 0 : index
    %get3A_2 = vector.load %arg1[%get3A, %get3A_0, %get3A_1] : memref<2x2048x128xf32, #tpu.memory_space<vmem>>, vector<2x2048x128xf32>
    %reduce_sum3A = arith.constant dense<0.000000e+00> : vector<2048x128xf32>
    %reduce_sum3A_3 = vector.multi_reduction <add>, %get3A_2, %reduce_sum3A [0] : vector<2x2048x128xf32> to vector<2048x128xf32>
    %reduce_sum3A_4 = arith.constant dense<0.000000e+00> : vector<2048xf32>
    %reduce_sum3A_5 = vector.multi_reduction <add>, %reduce_sum3A_3, %reduce_sum3A_4 [1] : vector<2048x128xf32> to vector<2048xf32>
    %broadcast_in_dim3A = vector.shape_cast %reduce_sum3A_5 : vector<2048xf32> to vector<2048x1xf32>
    %mul3A = arith.constant 7.812500e-03 : f32
    %mul3A_6 = vector.broadcast %mul3A : f32 to vector<2048x1xf32>
    %mul3A_7 = arith.mulf %broadcast_in_dim3A, %mul3A_6 : vector<2048x1xf32>
    %add3A = arith.constant 1.000000e+00 : f32
    %add3A_8 = vector.broadcast %add3A : f32 to vector<2048x1xf32>
    %add3A_9 = arith.addf %mul3A_7, %add3A_8 : vector<2048x1xf32>
    %rsqrt3A = math.rsqrt %add3A_9 : vector<2048x1xf32>
    %get3A_10 = arith.constant 0 : index
    %get3A_11 = arith.constant 0 : index
    %get3A_12 = arith.constant 0 : index
    %get3A_13 = vector.load %arg2[%get3A_10, %get3A_11, %get3A_12] : memref<2x2048x128xf32, #tpu.memory_space<vmem>>, vector<2x2048x128xf32>
    %slice3A = vector.extract_strided_slice %get3A_13 {offsets = [0, 0, 0], sizes = [1, 2048, 128], strides = [1, 1, 1]} : vector<2x2048x128xf32> to vector<1x2048x128xf32>
    %squeeze3A = vector.shape_cast %slice3A : vector<1x2048x128xf32> to vector<2048x128xf32>
    %slice3A_14 = vector.extract_strided_slice %get3A_13 {offsets = [1, 0, 0], sizes = [1, 2048, 128], strides = [1, 1, 1]} : vector<2x2048x128xf32> to vector<1x2048x128xf32>
    %squeeze3A_15 = vector.shape_cast %slice3A_14 : vector<1x2048x128xf32> to vector<2048x128xf32>
    %add3A_16 = arith.addf %squeeze3A, %squeeze3A_15 : vector<2048x128xf32>
    %get3A_17 = arith.constant 0 : index
    %get3A_18 = arith.constant 0 : index
    %get3A_19 = vector.load %arg3[%get3A_17, %get3A_18] : memref<2048x128xf32, #tpu.memory_space<vmem>>, vector<2048x128xf32>
    %add3A_20 = arith.addf %add3A_16, %get3A_19 : vector<2048x128xf32>
    %mul3A_21 = vector.broadcast %rsqrt3A : vector<2048x1xf32> to vector<2048x128xf32>
    %mul3A_22 = arith.mulf %add3A_20, %mul3A_21 : vector<2048x128xf32>
    %get3A_23 = arith.constant 0 : index
    %get3A_24 = arith.constant 0 : index
    %get3A_25 = vector.load %arg4[%get3A_23, %get3A_24] : memref<1x128xf32, #tpu.memory_space<vmem>>, vector<1x128xf32>
    %add3A_26 = vector.broadcast %get3A_25 : vector<1x128xf32> to vector<2048x128xf32>
    %add3A_27 = arith.addf %mul3A_22, %add3A_26 : vector<2048x128xf32>
    %swap3A = arith.constant 0 : index
    %swap3A_28 = arith.constant 0 : index
    %swap3A_29 = vector.load %arg5[%swap3A, %swap3A_28] : memref<2048x128xf32, #tpu.memory_space<vmem>>, vector<2048x128xf32>
    tpu.vector_store %arg5[%swap3A, %swap3A_28], %add3A_27 {strides = array<i32>} : memref<2048x128xf32, #tpu.memory_space<vmem>>, vector<2048x128xf32>,
    return
  }
  func.func @transform_0(%arg0: i32) -> (i32, i32, i32) {
    %c0_i32 = arith.constant 0 : i32
    %c0_i32_0 = arith.constant 0 : i32
    %c0_i32_1 = arith.constant 0 : i32
    return %c0_i32, %arg0, %c0_i32_0 : i32, i32, i32
  }
  func.func @transform_1(%arg0: i32) -> (i32, i32, i32) {
    %c0_i32 = arith.constant 0 : i32
    %c0_i32_0 = arith.constant 0 : i32
    %c0_i32_1 = arith.constant 0 : i32
    return %c0_i32, %arg0, %c0_i32_0 : i32, i32, i32
  }
  func.func @transform_2(%arg0: i32) -> (i32, i32) {
    %c0_i32 = arith.constant 0 : i32
    %c0_i32_0 = arith.constant 0 : i32
    return %arg0, %c0_i32 : i32, i32
  }
  func.func @transform_3(%arg0: i32) -> (i32, i32) {
    %c0_i32 = arith.constant 0 : i32
    %c0_i32_0 = arith.constant 0 : i32
    %c0_i32_1 = arith.constant 0 : i32
    return %c0_i32, %c0_i32_0 : i32, i32
  }
  func.func @transform_4(%arg0: i32) -> (i32, i32) {
    %c0_i32 = arith.constant 0 : i32
    %c0_i32_0 = arith.constant 0 : i32
    return %arg0, %c0_i32 : i32, i32
  }
}

</mosaic_0001>

<sc_bundles>
// kernel: kernel.11.cloned.1.call-start
scs
__scs_entry_jumppad:
0x0: {  	(pc) =	sbr.rel $0x88, $3  }
0x1: {  	(tag) =	ssettag $0x0;
	lr =	simm.s32 $0x1  }
0x2: {  	[smem:$0x3F9B] =	sst lr;
	_ =	strace $0xD0000000  }
0x3: {  	_ = 	snop  }
0x4: {  	_ = 	snop  }
0x5: {  	_ = 	snop  }
0x6: {  	_ = 	snop  }
0x7: {  	_ = 	snop  }
__scs_overlays_trampoline_lowered:
0x8: {  	[smem:$0x3FAA] =	sst s0  }
0x9: {  	[smem:$0x3FAB] =	sst s1  }
0xa: {  	[smem:$0x3FAC] =	sst s2  }
0xb: {  	[smem:$0x3FAD] =	sst s3  }
0xc: {  	[smem:$0x3FAE] =	sst s4  }
0xd: {  	[smem:$0x3FAF] =	sst s5  }
0xe: {  	[smem:$0x3FB0] =	sst s6  }
0xf: {  	[smem:$0x3FB1] =	sst s7  }
0x10: {  	[smem:$0x3FB2] =	sst s8  }
0x11: {  	[smem:$0x3FB3] =	sst s9;
	s0 =	simm.s32 @!p0 $0x0  }
0x12: {  	s1 =	sld [smem:$0x3F99];
	s0 =	simm.s32 @p0 $0x1  }
0x13: {  	[smem:$0x3FB4] =	sst s0;
	s0 =	simm.s32 @!p1 $0x0  }
0x14: {  	s2 =	sld [smem:$0x3F98];
	s0 =	simm.s32 @p1 $0x1  }
0x15: {  	[smem:$0x3FB5] =	sst s0;
	s0 =	simm.s32 @!p2 $0x0  }
0x16: {  	s3 =	sld [smem:$0x3FDB];
	s0 =	simm.s32 @p2 $0x1  }
0x17: {  	s4 =	simm.s32 $0x1BF5;
	[smem:$0x3FB7] =	sst s0  }
0x18: {  	s0 =	sld [smem:$0x3F9A];
	_ =	swait.ge [sflag:s4], $0x0  }
0x19: {  	s7 =	sld [smem:$0x3F9B]  }
0x1a: {  	s8 =	sadd.s32 $0xFFFFE003, lr  }
0x1b: {  	s9 =	sadd.s32 $0xFFFFFEF7, lr;
	s5 =	simm.s32 $0xFFFFFFFF;
	p2 =	slt.u32 s8, $0xFFFFF086  }
0x1c: {  	p1 =	slt.u32 s9, $0xF7A;
	s5 =	simm.s32 @!p2 $0x0  }
0x1d: {  	s5 =	simm.s32 @p1 $0x1;
	p0 =	seq.s32 s7, s2  }
0x1e: {  	s7 =	smul.u32 @!p0 $0xF7A, s2;
	p2 =	seq.s32 @!p0 s5, $0x0  }
0x1f: {  	s9 =	smul.u32 $0xF7A, s1;
	s8 =	simm.s32 @!p0 $0x1BF5;
	p2 =	por !p2, p0  }
0x20: {  	[sflag:s8] =	ssyncset.s32 @!p0 $0xFFFFF086;
	s6 =	sadd.s32 @!p0 s3, s7;
	s7 =	simm.s32 @!p0 $0x108  }
0x21: {  	s3 =	sadd.s32 s3, s9;
	s6 =	sadd.s32 @!p0 $0x88, s6;
	s7 =	simm.s32 @p2 $0x1082  }
0x22: {  	[simem:s7], [sflag:s8] =	dma.local @!p0 [hbm:s6], $0xF7A  }
0x23: {  	s9 =	sor.u32 $0xD0000000, s2;
	s6 =	simm.s32 $0x108;
	_ =	swait.ge @!p0 [sflag:s8], $0x0  }
0x24: {  	s3 =	sadd.s32 $0x88, s3;
	s6 =	simm.s32 @!p1 $0x1082;
	[sflag:s4] =	ssyncset.s32 $0xFFFFF086  }
0x25: {  	[simem:s6], [sflag:s4] =	dma.local [hbm:s3], $0xF7A  }
0x26: {  	[smem:$0x3F9B] =	sst s1;
	(tag) =	ssettag s2;
	_ =	strace s9  }
0x27: {  	s1 =	sld [smem:$0x3FAB]  }
0x28: {  	s2 =	sld [smem:$0x3FAC]  }
0x29: {  	s4 =	sld [smem:$0x3FAE]  }
0x2a: {  	p0 =	seq.s32 s5, $0x0;
	s5 =	sld [smem:$0x3FAF]  }
0x2b: {  	s6 =	sld [smem:$0x3FB0]  }
0x2c: {  	s7 =	sld [smem:$0x3FB1]  }
0x2d: {  	s3 =	simm.s32 $0x108;
	s8 =	sld [smem:$0x3FB2]  }
0x2e: {  	s3 =	simm.s32 @!p0 $0x1082;
	s9 =	sld [smem:$0x3FB3]  }
0x2f: {  	lr =	sadd.s32 s0, s3;
	s0 =	sld [smem:$0x3FAA]  }
0x30: {  	s3 =	sld [smem:$0x3FAD]  }
0x31: {  	[smem:$0x3FB6] =	sst s10  }
0x32: {  	s10 =	sld [smem:$0x3FB4];
	_ =	sdelay $0x3  }
0x33: {  	p0 =	seq.s32 s10, $0x1;
	s10 =	sld [smem:$0x3FB6];
	_ =	sdelay $0x3  }
0x34: {  	[smem:$0x3FB6] =	sst s10  }
0x35: {  	s10 =	sld [smem:$0x3FB5];
	_ =	sdelay $0x3  }
0x36: {  	p1 =	seq.s32 s10, $0x1;
	s10 =	sld [smem:$0x3FB6];
	_ =	sdelay $0x3  }
0x37: {  	[smem:$0x3FB6] =	sst s10  }
0x38: {  	s10 =	sld [smem:$0x3FB7]  }
0x39: {  	_ = 	snop;
	(pc) =	sbr.ind lr, $3  }
0x3a: {  	_ = 	snop  }
0x3b: {  	_ = 	snop  }
0x3c: {  	p2 =	seq.s32 s10, $0x1;
	s10 =	sld [smem:$0x3FB6]  }
0x3d: {  	_ =	shalt  }
0x3e: {  	_ =	shalt  }
0x3f: {  	_ =	shalt  }
0x40: {  	_ =	shalt  }
0x41: {  	_ =	shalt  }
0x42: {  	_ =	shalt  }
0x43: {  	_ =	shalt  }
0x44: {  	_ =	shalt  }
0x45: {  	_ =	shalt  }
0x46: {  	_ =	shalt  }
0x47: {  	_ =	shalt  }
0x48: {  	_ =	shalt  }
0x49: {  	_ =	shalt  }
0x4a: {  	_ =	shalt  }
0x4b: {  	_ =	shalt  }
0x4c: {  	_ =	shalt  }
0x4d: {  	_ =	shalt  }
0x4e: {  	_ =	shalt  }
0x4f: {  	_ =	shalt  }
0x50: {  	_ =	shalt  }
0x51: {  	_ =	shalt  }
0x52: {  	_ =	shalt  }
0x53: {  	_ =	shalt  }
0x54: {  	_ =	shalt  }
0x55: {  	_ =	shalt  }
0x56: {  	_ =	shalt  }
0x57: {  	_ =	shalt  }
0x58: {  	_ =	shalt  }
0x59: {  	_ =	shalt  }
0x5a: {  	_ =	shalt  }
0x5b: {  	_ =	shalt  }
0x5c: {  	_ =	shalt  }
0x5d: {  	_ =	shalt  }
0x5e: {  	_ =	shalt  }
0x5f: {  	_ =	shalt  }
0x60: {  	_ =	shalt  }
0x61: {  	_ =	shalt  }
0x62: {  	_ =	shalt  }
0x63: {  	_ =	shalt  }
0x64: {  	_ =	shalt  }
0x65: {  	_ =	shalt  }
0x66: {  	_ =	shalt  }
0x67: {  	_ =	shalt  }
0x68: {  	_ =	shalt  }
0x69: {  	_ =	shalt  }
0x6a: {  	_ =	shalt  }
0x6b: {  	_ =	shalt  }
0x6c: {  	_ =	shalt  }
0x6d: {  	_ =	shalt  }
0x6e: {  	_ =	shalt  }
0x6f: {  	_ =	shalt  }
0x70: {  	_ =	shalt  }
0x71: {  	_ =	shalt  }
0x72: {  	_ =	shalt  }
0x73: {  	_ =	shalt  }
0x74: {  	_ =	shalt  }
0x75: {  	_ =	shalt  }
0x76: {  	_ =	shalt  }
0x77: {  	_ =	shalt  }
0x78: {  	_ =	shalt  }
0x79: {  	_ =	shalt  }
0x7a: {  	_ =	shalt  }
0x7b: {  	_ =	shalt  }
0x7c: {  	_ =	shalt  }
0x7d: {  	_ =	shalt  }
0x7e: {  	_ =	shalt  }
0x7f: {  	_ =	shalt  }
0x80: {  	_ =	shalt  }
0x81: {  	_ =	shalt  }
0x82: {  	_ =	shalt  }
0x83: {  	_ =	shalt  }
0x84: {  	_ =	shalt  }
0x85: {  	_ =	shalt  }
0x86: {  	_ =	shalt  }
0x87: {  	_ =	shalt  }
.Lfunc_end0:
.L_simem_size_0:
called_computation.1_lowered:
.L_overlay_start_0:
0x88: {  	s2 =	sld [smem:$0x3FD9]  }
0x89: {  	s3 =	sld [smem:$0x3FFE];
	_ =	sdelay $0x1  }
0x8a: {  	s1 =	srdreg.scid  }
0x8b: {  	s0 =	sand.u32 $0x1, s1  }
0x8c: {  	s17 =	sshll.u32 s0, $0xA;
	s2 =	sadd.s32 s3, s2  }
0x8d: {  	s2 =	sadd.s32 s2, s17  }
0x8e: {  	[smem:$0x3FC2] =	sst s2  }
0x8f: {  	_ = 	snop  }
0x90: {  	s2 =	sld [smem:$0x3FD0];
	(tm) =	ssettm $0x1  }
0x91: {  	s18 =	sld [smem:$0x3FFB];
	_ =	sdelay $0x3  }
0x92: {  	_ =	strace s18  }
0x93: {  	s3 =	sld [smem:$0x3FFC];
	_ =	sdelay $0x3  }
0x94: {  	_ =	strace s3  }
0x95: {  	s3 =	sld [smem:$0x3FFD];
	_ =	sdelay $0x3  }
0x96: {  	_ =	strace s3  }
0x97: {  	_ =	strace $0x8FFFFFFF  }
0x98: {  	s19 =	sld [smem:$0x3FDB];
	_ =	sdelay $0x1  }
0x99: {  	s4 =	simm.s32 $_scs_section_size  }
0x9a: {  	s5 =	simm.s32 $_size__tile_overlayer_lowered;
	s6 =	simm.s32 $_tile_overlayer_lowered  }
0x9b: {  	s22 =	simm.s32 $0x1BFF;
	s21 =	sshll.u32 s6, $0x1;
	s3 =	sadd.s32 s4, s19  }
0x9c: {  	s7 =	simm.s32 $0x0;
	s20 =	sshll.u32 s5, $0x1;
	s5 =	sadd.s32 s21, s3  }
0x9d: {  	[timem:s7], [sflag:s22] =	dma.local [hbm:s5], s20  }
0x9e: {  	_ =	swait.ge [sflag:s22], s20  }
0x9f: {  	s4 =	ssub.s32 $0x0, s20;
	[sflag:s22] =	ssyncset.done $0x0  }
0xa0: {  	[sflag:s22] =	ssyncadd.s32 s4;
	_ =	sdelay $0x1  }
0xa1: {  	s23 =	simm.s32 $0x1B8B  }
0xa2: {  	_ =	swait.ge [sflag:s23], $0x1  }
0xa3: {  	[sflag:s23] =	ssyncset.done $0x0  }
0xa4: {  	s25 =	simm.s32 $0x1B8E;
	s24 =	sld [smem:$0x3FFE];
	[sflag:s23] =	ssyncadd.s32 $0xFFFFFFFF  }
0xa5: {  	s26 =	simm.s32 $execute0_lowered;
	[smem:$0x3FD2] =	sst s25  }
0xa6: {  	s5 =	sshll.u32 s26, $0x1;
	_ =	strace $0x80000049;
	[dreg:$0x1] =	wrdreg $0xFFFFFFFF  }
0xa7: {  	s28 =	simm.s32 $_size_execute0_lowered;
	s3 =	sadd.s32 s3, s5;
	[dreg:$0x0] =	wrdreg $0x0  }
0xa8: {  	s5 =	sshll.u32 s28, $0x1;
	[dreg:$0x2] =	wrdreg s3  }
0xa9: {  	[dreg:$0x3] =	wrdreg s5  }
0xaa: {  	[dreg:$0x4] =	wrdreg $0xC0  }
0xab: {  	_ =	task [dreg:s7], $0x5FFFF  }
0xac: {  	[dreg:$0x1] =	wrdreg $0xFFFFFFFF  }
0xad: {  	[dreg:$0x0] =	wrdreg $0x60  }
0xae: {  	[dreg:$0x2] =	wrdreg s2  }
0xaf: {  	[dreg:$0x3] =	wrdreg s24  }
0xb0: {  	[dreg:$0x4] =	wrdreg $0xAB000  }
0xb1: {  	[dreg:$0x5] =	wrdreg $0x9  }
0xb2: {  	_ =	task.clear_ibuf [dreg:s7], $0x6FFFF;
	_ =	strace $0x90000049  }
0xb3: {  	s29 =	simm.s32 $0x9;
	_ =	strace $0x8000004B  }
0xb4: {  	_ =	swait.ge [sflag:s29], $0x1  }
0xb5: {  	[sflag:s29] =	ssyncadd.s32 $0xFFFFFFFF  }
0xb6: {  	_ =	strace $0x9000004B  }
0xb7: {  	_ =	sfence  }
0xb8: {  	s30 =	sld [smem:$0x0];
	_ =	sdelay $0x2  }
0xb9: {  	s31 =	sshll.u32 s1, $0xD;
	s1 =	sshrl.u32 s1, $0x2  }
0xba: {  	s3 =	sand.u32 $0x4000, s31;
	s1 =	sadd.s32 s1, s30  }
0xbb: {  	s0 =	sor.u32 s3, s0;
	s1 =	sshll.u32 s1, $0x11  }
0xbc: {  	s0 =	sor.u32 s1, s0  }
0xbd: {  	s0 =	sadd.s32 $0x8F2B, s0  }
0xbe: {  	[sflag:s0] =	ssyncadd.remote.s32 $0x1  }
0xbf: {  	_ =	sfence.sel $0xFFFF  }
0xc0: {  	[dreg:$0x0] =	wrdreg $0xFFFFFFFF;
	(pc) =	sbr.abs _section_cstart, $3  }
0xc1: {  	[dreg:$0x1] =	wrdreg $0xFFFFFFFF  }
0xc2: {  	_ =	task.clear_ibuf [dreg:s7], $0x2FFFF;
	_ =	strace $0x9FFFFFFF  }
0xc3: {  	(tm) =	ssettm $0x7FFFFFFF  }
tec
execute0_lowered:
.L_overlay_start_1:
0x0: {  	(tag) =	ssettag $0x1  }
0x1: {  	s0 =	rddreg [dreg:$0x0]  }
0x2: {  	s1 =	rddreg [dreg:$0x1]  }
0x3: {  	s2 =	rddreg [dreg:$0x2]  }
0x4: {  	s3 =	simm.s32 $0x0;
	s4 =	srdreg.scid;
	s12 =	stileid.u32  }
0x5: {  	s28 =	simm.s32 $0x2;
	s29 =	simm.s32 $0x3B00;
	s30 =	simm.s32 $0x3  }
0x6: {  	s31 =	simm.s32 $0x7300;
	[smem:$0x7FF] =	sst s3;
	s6 =	smul.u32 $0x5A, s12  }
0x7: {  	s5 =	sand.u32 $0x1, s4;
	s8 =	smul.u32 $0x14000, s12;
	s10 =	sadd.s32 $0x2600, s1  }
0x8: {  	s4 =	sadd.s32 $0xF400, s1;
	s11 =	smul.u32 $0x50000, s12;
	s13 =	sadd.s32 $0xCC00, s1  }
0x9: {  	s19 =	sshll.u32 s12, $0x6;
	_ =	strace $0x8000004A;
	s7 =	smul.u32 $0x140000, s5  }
0xa: {  	p0 =	seq.s32 s5, $0x0;
	s5 =	ssub.s32 $0x2, s5;
	[dreg:$0x4] =	wrdreg s13  }
0xb: {  	s9 =	sadd.s32 $0x5A0, s6;
	s17 =	sshrl.u32 s5, $0x1;
	s18 =	sshrl.u32 s11, $0x2  }
0xc: {  	s9 =	smov.u32 @p0 s6;
	s15 =	sadd.s32 s8, s7;
	s5 =	ssub.s32 s5, s17  }
0xd: {  	s11 =	sadd.s32 s18, s2;
	s18 =	simm.s32 $0xA;
	s16 =	smul.u32 $0x70, s9  }
0xe: {  	s6 =	sshrl.u32 s15, $0x3;
	s24 =	smul.u32 $0xE, s9;
	s26 =	smax.u32 s5, $0x1  }
0xf: {  	s17 =	sshrl.u32 s11, $0x3;
	s5 =	simm.s32 $0x6;
	s9 =	simm.s32 $0x9  }
0x10: {  	s1 =	sadd.s32 s6, s1;
	s6 =	sor.u32 $0x1C0A, s19;
	[dreg:$0xc] =	wrdreg s26  }
0x11: {  	s19 =	simm.s32 $0x180;
	s26 =	simm.s32 $0x300;
	s7 =	sshrl.u32 s16, $0x3  }
0x12: {  	s1 =	sadd.s32 $0x37400, s1;
	s15 =	sadd.s32 s24, s0;
	s16 =	sadd.s32 s24, s10  }
0x13: {  	s24 =	simm.s32 $0x1;
	s21 =	sadd.s32 s0, s7;
	[dreg:$0xb] =	wrdreg s1  }
0x14: {  	s20 =	sadd.s32 $0xE, s7;
	s22 =	sadd.s32 s10, s7;
	[dreg:$0x5] =	wrdreg s21  }
0x15: {  	s7 =	sadd.s32 $0x1C, s7;
	s1 =	simm.s32 $0x5;
	[dreg:$0x6] =	wrdreg s22  }
0x16: {  	s23 =	sadd.s32 s0, s20;
	s8 =	sadd.s32 s10, s20;
	s25 =	sadd.s32 s0, s7  }
.Ltmp0:
0x17: {  	s7 =	sadd.s32 s10, s7;
	[dreg:$0x7] =	wrdreg s23;
	(pc) =	sbr.rel .LBB2_1-.Ltmp0, $4  }
0x18: {  	s20 =	simm.s32 $0x80;
	s21 =	simm.s32 $0x200;
	[dreg:$0x8] =	wrdreg s8  }
0x19: {  	s22 =	simm.s32 $0x100;
	s0 =	simm.s32 $0x4;
	[dreg:$0x9] =	wrdreg s25  }
0x1a: {  	s10 =	simm.s32 $0x0;
	[dreg:$0xa] =	wrdreg s7;
	s23 =	simm.s32 $0x280  }
0x1b: {  	s25 =	simm.s32 $0x70;
	s7 =	simm.s32 $0x7;
	s8 =	simm.s32 $0x8  }
.LBB2_4:
0x1c: {  	_ =	swait.ge [sflag:s8], $0x3800  }
0x1d: {  	[sflag:s8] =	ssyncset.done $0x0  }
0x1e: {  	[sflag:s8] =	ssyncadd.s32 $0xFFFFC800  }
0x1f: {  	_ =	swait.ge [sflag:s9], $0x3800  }
0x20: {  	[sflag:s9] =	ssyncset.done $0x0  }
0x21: {  	[sflag:s9] =	ssyncadd.s32 $0xFFFFC800  }
0x22: {  	[bflag:$0x0] =	sbarrier.arrive $0xFFFF  }
0x23: {  	s11 =	rddreg [dreg:$0xb]  }
0x24: {  	[hbm:s11], [sflag:s6] =	dma.local [spmem:s17], $0x2800  }
0x25: {  	_ =	swait.ge [sflag:s18], $0x2800  }
0x26: {  	s10 =	sadd.s32 $0x1, s10;
	s14 =	rddreg [dreg:$0xc]  }
0x27: {  	p0 =	sne.s32 s10, s14  }
.Ltmp1:
0x28: {  	_ = 	snop;
	(pc) =	sbr.rel @!p0 .LBB2_5-.Ltmp1, $3  }
0x29: {  	_ =	sdelay $0x1  }
0x2a: {  	[sflag:s18] =	ssyncset.done $0x0  }
0x2b: {  	[sflag:s18] =	ssyncadd.s32 $0xFFFFD800  }
.LBB2_1:
0x2c: {  	s11 =	rddreg [dreg:$0x4]  }
0x2d: {  	[spmem:s17], [sflag:s6] =	dma.local [hbm:s11], $0x2800  }
0x2e: {  	_ =	swait.ge [sflag:s18], $0x2800  }
0x2f: {  	[sflag:s18] =	ssyncset.done $0x0  }
0x30: {  	[sflag:s18] =	ssyncadd.s32 $0xFFFFD800  }
0x31: {  	[bflag:$0x0] =	sbarrier.arrive $0xFFFF  }
0x32: {  	s12 =	rddreg [dreg:$0x5]  }
0x33: {  	[tilespmem:s3], [sflag:$0x1] =	stream.linear.gather [hbm4b:s12+s3], $0x70, $0x38;
	[tilespmem:$0x1EB00] =	vst v63  }
0x34: {  	s13 =	rddreg [dreg:$0x6]  }
0x35: {  	[tilespmem:s19], [sflag:$0x1] =	stream.linear.gather [hbm4b:s13+s3], $0x70, $0x38;
	[tilespmem:$0x1EB00] =	vst v63  }
0x36: {  	s14 =	rddreg [dreg:$0x7]  }
0x37: {  	[tilespmem:s20], [sflag:$0x2] =	stream.linear.gather [hbm4b:s14+s3], $0x70, $0x38;
	[tilespmem:$0x1EB00] =	vst v63  }
0x38: {  	s12 =	rddreg [dreg:$0x8]  }
0x39: {  	[tilespmem:s21], [sflag:$0x2] =	stream.linear.gather [hbm4b:s12+s3], $0x70, $0x38;
	[tilespmem:$0x1EB00] =	vst v63  }
0x3a: {  	s13 =	rddreg [dreg:$0x9]  }
0x3b: {  	[tilespmem:s22], [sflag:$0x3] =	stream.linear.gather [hbm4b:s13+s3], $0x70, $0x38;
	[tilespmem:$0x1EB00] =	vst v63  }
0x3c: {  	s11 =	simm.s32 $0x0;
	s14 =	rddreg [dreg:$0xa]  }
0x3d: {  	[tilespmem:s23], [sflag:$0x3] =	stream.linear.gather [hbm4b:s14+s3], $0x70, $0x38;
	[tilespmem:$0x1EB00] =	vst v63  }
.LBB2_2:
0x3e: {  	_ =	swait.ge [sflag:s24], $0x70  }
0x3f: {  	[sflag:s24] =	ssyncset.done $0x0  }
0x40: {  	[sflag:s24] =	ssyncadd.s32 $0xFFFFFF90  }
0x41: {  	_ =	swait.ge [sflag:s24], $0x70  }
0x42: {  	[sflag:s24] =	ssyncset.done $0x0  }
0x43: {  	[sflag:s24] =	ssyncadd.s32 $0xFFFFFF90  }
0x44: {  	[tilespmem:s26], [sflag:$0x4] =	stream.indirect.gather [hbm4b:s4+s25], $0x80, s3, s25, $0xb8;
	[tilespmem:$0x1EB00] =	vst v63  }
0x45: {  	_ =	swait.ge [sflag:s28], $0x70  }
0x46: {  	[sflag:s28] =	ssyncset.done $0x0  }
0x47: {  	[sflag:s28] =	ssyncadd.s32 $0xFFFFFF90  }
0x48: {  	_ =	swait.ge [sflag:s28], $0x70  }
0x49: {  	[sflag:s28] =	ssyncset.done $0x0  }
0x4a: {  	[sflag:s28] =	ssyncadd.s32 $0xFFFFFF90  }
0x4b: {  	[tilespmem:s29], [sflag:$0x5] =	stream.indirect.gather [hbm4b:s4+s25], $0x80, s20, s25, $0xb8;
	[tilespmem:$0x1EB00] =	vst v63  }
0x4c: {  	_ =	swait.ge [sflag:s30], $0x70  }
0x4d: {  	[sflag:s30] =	ssyncset.done $0x0  }
0x4e: {  	[sflag:s30] =	ssyncadd.s32 $0xFFFFFF90  }
0x4f: {  	_ =	swait.ge [sflag:s30], $0x70  }
0x50: {  	[sflag:s30] =	ssyncset.done $0x0  }
0x51: {  	[sflag:s30] =	ssyncadd.s32 $0xFFFFFF90  }
0x52: {  	[tilespmem:s31], [sflag:$0x6] =	stream.indirect.gather [hbm4b:s4+s25], $0x80, s22, s25, $0xb8;
	[tilespmem:$0x1EB00] =	vst v63  }
0x53: {  	_ =	swait.ge [sflag:s0], $0x3800  }
0x54: {  	[sflag:s0] =	ssyncset.done $0x0  }
0x55: {  	[sflag:s0] =	ssyncadd.s32 $0xFFFFC800  }
0x56: {  	[spmem:s2] =	stream.indirect.scatter.add.f32 [tilespmem:s26], [sflag:$0x7], $0x80, s19, s25, $0xb8;
	[tilespmem:$0x1EB00] =	vst v63  }
0x57: {  	_ =	swait.ge [sflag:s1], $0x3800  }
0x58: {  	[sflag:s1] =	ssyncset.done $0x0  }
0x59: {  	[sflag:s1] =	ssyncadd.s32 $0xFFFFC800  }
0x5a: {  	[spmem:s2] =	stream.indirect.scatter.add.f32 [tilespmem:s29], [sflag:$0x8], $0x80, s21, s25, $0xb8;
	[tilespmem:$0x1EB00] =	vst v63  }
0x5b: {  	_ =	swait.ge [sflag:s5], $0x3800  }
0x5c: {  	p0 =	seq.s32 s11, $0x4C2;
	[sflag:s5] =	ssyncset.done $0x0  }
.Ltmp2:
0x5d: {  	[sflag:s5] =	ssyncadd.s32 $0xFFFFC800;
	(pc) =	sbr.rel @p0 .LBB2_4-.Ltmp2, $4  }
0x5e: {  	[spmem:s2] =	stream.indirect.scatter.add.f32 [tilespmem:s31], [sflag:$0x9], $0x80, s23, s25, $0xb8;
	[tilespmem:$0x1EB00] =	vst v63  }
0x5f: {  	_ =	swait.ge [sflag:s7], $0x3800  }
0x60: {  	[sflag:s7] =	ssyncset.done $0x0  }
0x61: {  	[sflag:s7] =	ssyncadd.s32 $0xFFFFC800  }
0x62: {  	s12 =	sadd.s32 s11, s15  }
0x63: {  	s13 =	sadd.s32 $0x2A, s12  }
0x64: {  	[tilespmem:s3], [sflag:$0x1] =	stream.linear.gather [hbm4b:s13+s3], $0x70, $0x38;
	[tilespmem:$0x1EB00] =	vst v63  }
0x65: {  	s13 =	sadd.s32 s11, s16  }
0x66: {  	s14 =	sadd.s32 $0x2A, s13  }
0x67: {  	[tilespmem:s19], [sflag:$0x1] =	stream.linear.gather [hbm4b:s14+s3], $0x70, $0x38;
	[tilespmem:$0x1EB00] =	vst v63  }
0x68: {  	_ =	swait.ge [sflag:s8], $0x3800  }
0x69: {  	[sflag:s8] =	ssyncset.done $0x0  }
0x6a: {  	s14 =	sadd.s32 $0x38, s12;
	[sflag:s8] =	ssyncadd.s32 $0xFFFFC800  }
0x6b: {  	[tilespmem:s20], [sflag:$0x2] =	stream.linear.gather [hbm4b:s14+s3], $0x70, $0x38;
	[tilespmem:$0x1EB00] =	vst v63  }
0x6c: {  	s14 =	sadd.s32 $0x38, s13  }
0x6d: {  	[tilespmem:s21], [sflag:$0x2] =	stream.linear.gather [hbm4b:s14+s3], $0x70, $0x38;
	[tilespmem:$0x1EB00] =	vst v63  }
0x6e: {  	_ =	swait.ge [sflag:s9], $0x3800  }
.Ltmp3:
0x6f: {  	[sflag:s9] =	ssyncset.done $0x0;
	(pc) =	sbr.rel .LBB2_2-.Ltmp3, $4  }
0x70: {  	s12 =	sadd.s32 $0x46, s12;
	[sflag:s9] =	ssyncadd.s32 $0xFFFFC800  }
0x71: {  	[tilespmem:s22], [sflag:$0x3] =	stream.linear.gather [hbm4b:s12+s3], $0x70, $0x38;
	[tilespmem:$0x1EB00] =	vst v63  }
0x72: {  	s11 =	sadd.s32 $0x2A, s11;
	s14 =	sadd.s32 $0x46, s13  }
0x73: {  	[tilespmem:s23], [sflag:$0x3] =	stream.linear.gather [hbm4b:s14+s3], $0x70, $0x38;
	[tilespmem:$0x1EB00] =	vst v63  }
.LBB2_5:
0x74: {  	_ =	sfence.sel $0x180000  }
0x75: {  	[bflag:$0x0] =	sbarrier.arrive $0xFFFF  }
0x76: {  	_ =	strace $0x9000004A  }
0x77: {  	s0 =	stileid.u32;
	[bflag:$0x2] =	sbarrier.arrive $0xFFFF  }
0x78: {  	p0 =	sne.s32 s0, $0x0;
	s0 =	rddreg [dreg:$0x3]  }
0x79: {  	s0 =	sadd.s32 @!p0 $0x100000, s0  }
0x7a: {  	[sflag:s0] =	ssyncadd.tile.s32 @!p0 $0x1;
	_ =	shalt  }
.Lfunc_end2:
_tile_overlayer_lowered:
.L_overlay_start_2:
0x7b: {  	(tag) =	ssettag $0x2  }
0x7c: {  	s0 =	rddreg [dreg:$0x0];
	s2 =	stileid.u32  }
0x7d: {  	s1 =	rddreg [dreg:$0x1];
	p0 =	sne.s32 s2, $0x0  }
0x7e: {  	s3 =	rddreg [dreg:$0x2];
	[bflag:$0x3] =	sbarrier.arrive $0xFFFF;
	s2 =	simm.s32 @!p0 $0x1C0A  }
0x7f: {  	[timem:s3], [sflag:s2] =	dma.local @!p0 [hbm:s0], s1  }
0x80: {  	s0 =	simm.s32 @!p0 $0xA  }
0x81: {  	_ =	swait.ge @!p0 [sflag:s0], s1  }
0x82: {  	s1 =	ssub.s32 @!p0 $0x0, s1;
	[sflag:s0] =	ssyncset.done @!p0 $0x0  }
0x83: {  	[sflag:s0] =	ssyncadd.s32 @!p0 s1  }
0x84: {  	[bflag:$0x3] =	sbarrier.arrive $0xFFFF  }
0x85: {  	_ =	shalt  }

// kernel: kernel.14.cloned.1.call-start
scs
__scs_entry_jumppad:
0x0: {  	(pc) =	sbr.rel $0x88, $3  }
0x1: {  	(tag) =	ssettag $0x0;
	lr =	simm.s32 $0x1  }
0x2: {  	[smem:$0x3F9B] =	sst lr;
	_ =	strace $0xD0000000  }
0x3: {  	_ = 	snop  }
0x4: {  	_ = 	snop  }
0x5: {  	_ = 	snop  }
0x6: {  	_ = 	snop  }
0x7: {  	_ = 	snop  }
__scs_overlays_trampoline_lowered:
0x8: {  	[smem:$0x3FAA] =	sst s0  }
0x9: {  	[smem:$0x3FAB] =	sst s1  }
0xa: {  	[smem:$0x3FAC] =	sst s2  }
0xb: {  	[smem:$0x3FAD] =	sst s3  }
0xc: {  	[smem:$0x3FAE] =	sst s4  }
0xd: {  	[smem:$0x3FAF] =	sst s5  }
0xe: {  	[smem:$0x3FB0] =	sst s6  }
0xf: {  	[smem:$0x3FB1] =	sst s7  }
0x10: {  	[smem:$0x3FB2] =	sst s8  }
0x11: {  	[smem:$0x3FB3] =	sst s9;
	s0 =	simm.s32 @!p0 $0x0  }
0x12: {  	s1 =	sld [smem:$0x3F99];
	s0 =	simm.s32 @p0 $0x1  }
0x13: {  	[smem:$0x3FB4] =	sst s0;
	s0 =	simm.s32 @!p1 $0x0  }
0x14: {  	s2 =	sld [smem:$0x3F98];
	s0 =	simm.s32 @p1 $0x1  }
0x15: {  	[smem:$0x3FB5] =	sst s0;
	s0 =	simm.s32 @!p2 $0x0  }
0x16: {  	s3 =	sld [smem:$0x3FDB];
	s0 =	simm.s32 @p2 $0x1  }
0x17: {  	s4 =	simm.s32 $0x1BF5;
	[smem:$0x3FB7] =	sst s0  }
0x18: {  	s0 =	sld [smem:$0x3F9A];
	_ =	swait.ge [sflag:s4], $0x0  }
0x19: {  	s7 =	sld [smem:$0x3F9B]  }
0x1a: {  	s8 =	sadd.s32 $0xFFFFE003, lr  }
0x1b: {  	s9 =	sadd.s32 $0xFFFFFEF7, lr;
	s5 =	simm.s32 $0xFFFFFFFF;
	p2 =	slt.u32 s8, $0xFFFFF086  }
0x1c: {  	p1 =	slt.u32 s9, $0xF7A;
	s5 =	simm.s32 @!p2 $0x0  }
0x1d: {  	s5 =	simm.s32 @p1 $0x1;
	p0 =	seq.s32 s7, s2  }
0x1e: {  	s7 =	smul.u32 @!p0 $0xF7A, s2;
	p2 =	seq.s32 @!p0 s5, $0x0  }
0x1f: {  	s9 =	smul.u32 $0xF7A, s1;
	s8 =	simm.s32 @!p0 $0x1BF5;
	p2 =	por !p2, p0  }
0x20: {  	[sflag:s8] =	ssyncset.s32 @!p0 $0xFFFFF086;
	s6 =	sadd.s32 @!p0 s3, s7;
	s7 =	simm.s32 @!p0 $0x108  }
0x21: {  	s3 =	sadd.s32 s3, s9;
	s6 =	sadd.s32 @!p0 $0x88, s6;
	s7 =	simm.s32 @p2 $0x1082  }
0x22: {  	[simem:s7], [sflag:s8] =	dma.local @!p0 [hbm:s6], $0xF7A  }
0x23: {  	s9 =	sor.u32 $0xD0000000, s2;
	s6 =	simm.s32 $0x108;
	_ =	swait.ge @!p0 [sflag:s8], $0x0  }
0x24: {  	s3 =	sadd.s32 $0x88, s3;
	s6 =	simm.s32 @!p1 $0x1082;
	[sflag:s4] =	ssyncset.s32 $0xFFFFF086  }
0x25: {  	[simem:s6], [sflag:s4] =	dma.local [hbm:s3], $0xF7A  }
0x26: {  	[smem:$0x3F9B] =	sst s1;
	(tag) =	ssettag s2;
	_ =	strace s9  }
0x27: {  	s1 =	sld [smem:$0x3FAB]  }
0x28: {  	s2 =	sld [smem:$0x3FAC]  }
0x29: {  	s4 =	sld [smem:$0x3FAE]  }
0x2a: {  	p0 =	seq.s32 s5, $0x0;
	s5 =	sld [smem:$0x3FAF]  }
0x2b: {  	s6 =	sld [smem:$0x3FB0]  }
0x2c: {  	s7 =	sld [smem:$0x3FB1]  }
0x2d: {  	s3 =	simm.s32 $0x108;
	s8 =	sld [smem:$0x3FB2]  }
0x2e: {  	s3 =	simm.s32 @!p0 $0x1082;
	s9 =	sld [smem:$0x3FB3]  }
0x2f: {  	lr =	sadd.s32 s0, s3;
	s0 =	sld [smem:$0x3FAA]  }
0x30: {  	s3 =	sld [smem:$0x3FAD]  }
0x31: {  	[smem:$0x3FB6] =	sst s10  }
0x32: {  	s10 =	sld [smem:$0x3FB4];
	_ =	sdelay $0x3  }
0x33: {  	p0 =	seq.s32 s10, $0x1;
	s10 =	sld [smem:$0x3FB6];
	_ =	sdelay $0x3  }
0x34: {  	[smem:$0x3FB6] =	sst s10  }
0x35: {  	s10 =	sld [smem:$0x3FB5];
	_ =	sdelay $0x3  }
0x36: {  	p1 =	seq.s32 s10, $0x1;
	s10 =	sld [smem:$0x3FB6];
	_ =	sdelay $0x3  }
0x37: {  	[smem:$0x3FB6] =	sst s10  }
0x38: {  	s10 =	sld [smem:$0x3FB7]  }
0x39: {  	_ = 	snop;
	(pc) =	sbr.ind lr, $3  }
0x3a: {  	_ = 	snop  }
0x3b: {  	_ = 	snop  }
0x3c: {  	p2 =	seq.s32 s10, $0x1;
	s10 =	sld [smem:$0x3FB6]  }
0x3d: {  	_ =	shalt  }
0x3e: {  	_ =	shalt  }
0x3f: {  	_ =	shalt  }
0x40: {  	_ =	shalt  }
0x41: {  	_ =	shalt  }
0x42: {  	_ =	shalt  }
0x43: {  	_ =	shalt  }
0x44: {  	_ =	shalt  }
0x45: {  	_ =	shalt  }
0x46: {  	_ =	shalt  }
0x47: {  	_ =	shalt  }
0x48: {  	_ =	shalt  }
0x49: {  	_ =	shalt  }
0x4a: {  	_ =	shalt  }
0x4b: {  	_ =	shalt  }
0x4c: {  	_ =	shalt  }
0x4d: {  	_ =	shalt  }
0x4e: {  	_ =	shalt  }
0x4f: {  	_ =	shalt  }
0x50: {  	_ =	shalt  }
0x51: {  	_ =	shalt  }
0x52: {  	_ =	shalt  }
0x53: {  	_ =	shalt  }
0x54: {  	_ =	shalt  }
0x55: {  	_ =	shalt  }
0x56: {  	_ =	shalt  }
0x57: {  	_ =	shalt  }
0x58: {  	_ =	shalt  }
0x59: {  	_ =	shalt  }
0x5a: {  	_ =	shalt  }
0x5b: {  	_ =	shalt  }
0x5c: {  	_ =	shalt  }
0x5d: {  	_ =	shalt  }
0x5e: {  	_ =	shalt  }
0x5f: {  	_ =	shalt  }
0x60: {  	_ =	shalt  }
0x61: {  	_ =	shalt  }
0x62: {  	_ =	shalt  }
0x63: {  	_ =	shalt  }
0x64: {  	_ =	shalt  }
0x65: {  	_ =	shalt  }
0x66: {  	_ =	shalt  }
0x67: {  	_ =	shalt  }
0x68: {  	_ =	shalt  }
0x69: {  	_ =	shalt  }
0x6a: {  	_ =	shalt  }
0x6b: {  	_ =	shalt  }
0x6c: {  	_ =	shalt  }
0x6d: {  	_ =	shalt  }
0x6e: {  	_ =	shalt  }
0x6f: {  	_ =	shalt  }
0x70: {  	_ =	shalt  }
0x71: {  	_ =	shalt  }
0x72: {  	_ =	shalt  }
0x73: {  	_ =	shalt  }
0x74: {  	_ =	shalt  }
0x75: {  	_ =	shalt  }
0x76: {  	_ =	shalt  }
0x77: {  	_ =	shalt  }
0x78: {  	_ =	shalt  }
0x79: {  	_ =	shalt  }
0x7a: {  	_ =	shalt  }
0x7b: {  	_ =	shalt  }
0x7c: {  	_ =	shalt  }
0x7d: {  	_ =	shalt  }
0x7e: {  	_ =	shalt  }
0x7f: {  	_ =	shalt  }
0x80: {  	_ =	shalt  }
0x81: {  	_ =	shalt  }
0x82: {  	_ =	shalt  }
0x83: {  	_ =	shalt  }
0x84: {  	_ =	shalt  }
0x85: {  	_ =	shalt  }
0x86: {  	_ =	shalt  }
0x87: {  	_ =	shalt  }
.Lfunc_end0:
.L_simem_size_0:
called_computation.2_lowered:
.L_overlay_start_0:
0x88: {  	s2 =	sld [smem:$0x3FD9]  }
0x89: {  	s3 =	sld [smem:$0x3FFE];
	_ =	sdelay $0x1  }
0x8a: {  	s1 =	srdreg.scid  }
0x8b: {  	s0 =	sand.u32 $0x1, s1  }
0x8c: {  	s17 =	sshll.u32 s0, $0xA;
	s2 =	sadd.s32 s3, s2  }
0x8d: {  	s2 =	sadd.s32 s2, s17  }
0x8e: {  	[smem:$0x3FC2] =	sst s2  }
0x8f: {  	_ = 	snop  }
0x90: {  	s2 =	sld [smem:$0x3FD0];
	(tm) =	ssettm $0x1  }
0x91: {  	s18 =	sld [smem:$0x3FFB];
	_ =	sdelay $0x3  }
0x92: {  	_ =	strace s18  }
0x93: {  	s3 =	sld [smem:$0x3FFC];
	_ =	sdelay $0x3  }
0x94: {  	_ =	strace s3  }
0x95: {  	s3 =	sld [smem:$0x3FFD];
	_ =	sdelay $0x3  }
0x96: {  	_ =	strace s3  }
0x97: {  	_ =	strace $0x8FFFFFFF  }
0x98: {  	s19 =	sld [smem:$0x3FDB];
	_ =	sdelay $0x1  }
0x99: {  	s4 =	simm.s32 $_scs_section_size  }
0x9a: {  	s5 =	simm.s32 $_size__tile_overlayer_lowered;
	s6 =	simm.s32 $_tile_overlayer_lowered  }
0x9b: {  	s22 =	simm.s32 $0x1BFF;
	s21 =	sshll.u32 s6, $0x1;
	s3 =	sadd.s32 s4, s19  }
0x9c: {  	s7 =	simm.s32 $0x0;
	s20 =	sshll.u32 s5, $0x1;
	s5 =	sadd.s32 s21, s3  }
0x9d: {  	[timem:s7], [sflag:s22] =	dma.local [hbm:s5], s20  }
0x9e: {  	_ =	swait.ge [sflag:s22], s20  }
0x9f: {  	s4 =	ssub.s32 $0x0, s20;
	[sflag:s22] =	ssyncset.done $0x0  }
0xa0: {  	[sflag:s22] =	ssyncadd.s32 s4;
	_ =	sdelay $0x1  }
0xa1: {  	s23 =	simm.s32 $0x1B8B  }
0xa2: {  	_ =	swait.ge [sflag:s23], $0x1  }
0xa3: {  	[sflag:s23] =	ssyncset.done $0x0  }
0xa4: {  	s25 =	simm.s32 $0x1B8E;
	s24 =	sld [smem:$0x3FFE];
	[sflag:s23] =	ssyncadd.s32 $0xFFFFFFFF  }
0xa5: {  	s26 =	simm.s32 $execute0_lowered;
	[smem:$0x3FD2] =	sst s25  }
0xa6: {  	s5 =	sshll.u32 s26, $0x1;
	_ =	strace $0x8000004C;
	[dreg:$0x1] =	wrdreg $0xFFFFFFFF  }
0xa7: {  	s28 =	simm.s32 $_size_execute0_lowered;
	s3 =	sadd.s32 s3, s5;
	[dreg:$0x0] =	wrdreg $0x0  }
0xa8: {  	s5 =	sshll.u32 s28, $0x1;
	[dreg:$0x2] =	wrdreg s3  }
0xa9: {  	[dreg:$0x3] =	wrdreg s5  }
0xaa: {  	[dreg:$0x4] =	wrdreg $0xC0  }
0xab: {  	_ =	task [dreg:s7], $0x5FFFF  }
0xac: {  	[dreg:$0x1] =	wrdreg $0xFFFFFFFF  }
0xad: {  	[dreg:$0x0] =	wrdreg $0x60  }
0xae: {  	[dreg:$0x2] =	wrdreg s2  }
0xaf: {  	[dreg:$0x3] =	wrdreg s24  }
0xb0: {  	[dreg:$0x4] =	wrdreg $0xAB000  }
0xb1: {  	[dreg:$0x5] =	wrdreg $0x9  }
0xb2: {  	_ =	task.clear_ibuf [dreg:s7], $0x6FFFF;
	_ =	strace $0x9000004C  }
0xb3: {  	s29 =	simm.s32 $0x9;
	_ =	strace $0x8000004E  }
0xb4: {  	_ =	swait.ge [sflag:s29], $0x1  }
0xb5: {  	[sflag:s29] =	ssyncadd.s32 $0xFFFFFFFF  }
0xb6: {  	_ =	strace $0x9000004E  }
0xb7: {  	_ =	sfence  }
0xb8: {  	s30 =	sld [smem:$0x0];
	_ =	sdelay $0x2  }
0xb9: {  	s31 =	sshll.u32 s1, $0xD;
	s1 =	sshrl.u32 s1, $0x2  }
0xba: {  	s3 =	sand.u32 $0x4000, s31;
	s1 =	sadd.s32 s1, s30  }
0xbb: {  	s0 =	sor.u32 s3, s0;
	s1 =	sshll.u32 s1, $0x11  }
0xbc: {  	s0 =	sor.u32 s1, s0  }
0xbd: {  	s0 =	sadd.s32 $0x8F2B, s0  }
0xbe: {  	[sflag:s0] =	ssyncadd.remote.s32 $0x1  }
0xbf: {  	_ =	sfence.sel $0xFFFF  }
0xc0: {  	[dreg:$0x0] =	wrdreg $0xFFFFFFFF;
	(pc) =	sbr.abs _section_cstart, $3  }
0xc1: {  	[dreg:$0x1] =	wrdreg $0xFFFFFFFF  }
0xc2: {  	_ =	task.clear_ibuf [dreg:s7], $0x2FFFF;
	_ =	strace $0x9FFFFFFF  }
0xc3: {  	(tm) =	ssettm $0x7FFFFFFF  }
tec
execute0_lowered:
.L_overlay_start_1:
0x0: {  	(tag) =	ssettag $0x1  }
0x1: {  	s0 =	rddreg [dreg:$0x0]  }
0x2: {  	s1 =	rddreg [dreg:$0x1]  }
0x3: {  	s2 =	rddreg [dreg:$0x2]  }
0x4: {  	s3 =	simm.s32 $0x0;
	s4 =	srdreg.scid;
	s12 =	stileid.u32  }
0x5: {  	s28 =	simm.s32 $0x2;
	s29 =	simm.s32 $0x3B00;
	s30 =	simm.s32 $0x3  }
0x6: {  	s31 =	simm.s32 $0x7300;
	[smem:$0x7FF] =	sst s3;
	s6 =	smul.u32 $0x5A, s12  }
0x7: {  	s5 =	sand.u32 $0x1, s4;
	s8 =	smul.u32 $0x14000, s12;
	s10 =	sadd.s32 $0x2600, s1  }
0x8: {  	s4 =	sadd.s32 $0xF400, s1;
	s11 =	smul.u32 $0x50000, s12;
	s13 =	sadd.s32 $0xCC00, s1  }
0x9: {  	s19 =	sshll.u32 s12, $0x6;
	_ =	strace $0x8000004D;
	s7 =	smul.u32 $0x140000, s5  }
0xa: {  	p0 =	seq.s32 s5, $0x0;
	s5 =	ssub.s32 $0x2, s5;
	[dreg:$0x4] =	wrdreg s13  }
0xb: {  	s9 =	sadd.s32 $0x5A0, s6;
	s17 =	sshrl.u32 s5, $0x1;
	s18 =	sshrl.u32 s11, $0x2  }
0xc: {  	s9 =	smov.u32 @p0 s6;
	s15 =	sadd.s32 s8, s7;
	s5 =	ssub.s32 s5, s17  }
0xd: {  	s11 =	sadd.s32 s18, s2;
	s18 =	simm.s32 $0xA;
	s16 =	smul.u32 $0x70, s9  }
0xe: {  	s6 =	sshrl.u32 s15, $0x3;
	s24 =	smul.u32 $0xE, s9;
	s26 =	smax.u32 s5, $0x1  }
0xf: {  	s17 =	sshrl.u32 s11, $0x3;
	s5 =	simm.s32 $0x6;
	s9 =	simm.s32 $0x9  }
0x10: {  	s1 =	sadd.s32 s6, s1;
	s6 =	sor.u32 $0x1C0A, s19;
	[dreg:$0xc] =	wrdreg s26  }
0x11: {  	s19 =	simm.s32 $0x180;
	s26 =	simm.s32 $0x300;
	s7 =	sshrl.u32 s16, $0x3  }
0x12: {  	s1 =	sadd.s32 $0x37400, s1;
	s15 =	sadd.s32 s24, s0;
	s16 =	sadd.s32 s24, s10  }
0x13: {  	s24 =	simm.s32 $0x1;
	s21 =	sadd.s32 s0, s7;
	[dreg:$0xb] =	wrdreg s1  }
0x14: {  	s20 =	sadd.s32 $0xE, s7;
	s22 =	sadd.s32 s10, s7;
	[dreg:$0x5] =	wrdreg s21  }
0x15: {  	s7 =	sadd.s32 $0x1C, s7;
	s1 =	simm.s32 $0x5;
	[dreg:$0x6] =	wrdreg s22  }
0x16: {  	s23 =	sadd.s32 s0, s20;
	s8 =	sadd.s32 s10, s20;
	s25 =	sadd.s32 s0, s7  }
.Ltmp0:
0x17: {  	s7 =	sadd.s32 s10, s7;
	[dreg:$0x7] =	wrdreg s23;
	(pc) =	sbr.rel .LBB2_1-.Ltmp0, $4  }
0x18: {  	s20 =	simm.s32 $0x80;
	s21 =	simm.s32 $0x200;
	[dreg:$0x8] =	wrdreg s8  }
0x19: {  	s22 =	simm.s32 $0x100;
	s0 =	simm.s32 $0x4;
	[dreg:$0x9] =	wrdreg s25  }
0x1a: {  	s10 =	simm.s32 $0x0;
	[dreg:$0xa] =	wrdreg s7;
	s23 =	simm.s32 $0x280  }
0x1b: {  	s25 =	simm.s32 $0x70;
	s7 =	simm.s32 $0x7;
	s8 =	simm.s32 $0x8  }
.LBB2_4:
0x1c: {  	_ =	swait.ge [sflag:s8], $0x3800  }
0x1d: {  	[sflag:s8] =	ssyncset.done $0x0  }
0x1e: {  	[sflag:s8] =	ssyncadd.s32 $0xFFFFC800  }
0x1f: {  	_ =	swait.ge [sflag:s9], $0x3800  }
0x20: {  	[sflag:s9] =	ssyncset.done $0x0  }
0x21: {  	[sflag:s9] =	ssyncadd.s32 $0xFFFFC800  }
0x22: {  	[bflag:$0x0] =	sbarrier.arrive $0xFFFF  }
0x23: {  	s11 =	rddreg [dreg:$0xb]  }
0x24: {  	[hbm:s11], [sflag:s6] =	dma.local [spmem:s17], $0x2800  }
0x25: {  	_ =	swait.ge [sflag:s18], $0x2800  }
0x26: {  	s10 =	sadd.s32 $0x1, s10;
	s14 =	rddreg [dreg:$0xc]  }
0x27: {  	p0 =	sne.s32 s10, s14  }
.Ltmp1:
0x28: {  	_ = 	snop;
	(pc) =	sbr.rel @!p0 .LBB2_5-.Ltmp1, $3  }
0x29: {  	_ =	sdelay $0x1  }
0x2a: {  	[sflag:s18] =	ssyncset.done $0x0  }
0x2b: {  	[sflag:s18] =	ssyncadd.s32 $0xFFFFD800  }
.LBB2_1:
0x2c: {  	s11 =	rddreg [dreg:$0x4]  }
0x2d: {  	[spmem:s17], [sflag:s6] =	dma.local [hbm:s11], $0x2800  }
0x2e: {  	_ =	swait.ge [sflag:s18], $0x2800  }
0x2f: {  	[sflag:s18] =	ssyncset.done $0x0  }
0x30: {  	[sflag:s18] =	ssyncadd.s32 $0xFFFFD800  }
0x31: {  	[bflag:$0x0] =	sbarrier.arrive $0xFFFF  }
0x32: {  	s12 =	rddreg [dreg:$0x5]  }
0x33: {  	[tilespmem:s3], [sflag:$0x1] =	stream.linear.gather [hbm4b:s12+s3], $0x70, $0x38;
	[tilespmem:$0x1EB00] =	vst v63  }
0x34: {  	s13 =	rddreg [dreg:$0x6]  }
0x35: {  	[tilespmem:s19], [sflag:$0x1] =	stream.linear.gather [hbm4b:s13+s3], $0x70, $0x38;
	[tilespmem:$0x1EB00] =	vst v63  }
0x36: {  	s14 =	rddreg [dreg:$0x7]  }
0x37: {  	[tilespmem:s20], [sflag:$0x2] =	stream.linear.gather [hbm4b:s14+s3], $0x70, $0x38;
	[tilespmem:$0x1EB00] =	vst v63  }
0x38: {  	s12 =	rddreg [dreg:$0x8]  }
0x39: {  	[tilespmem:s21], [sflag:$0x2] =	stream.linear.gather [hbm4b:s12+s3], $0x70, $0x38;
	[tilespmem:$0x1EB00] =	vst v63  }
0x3a: {  	s13 =	rddreg [dreg:$0x9]  }
0x3b: {  	[tilespmem:s22], [sflag:$0x3] =	stream.linear.gather [hbm4b:s13+s3], $0x70, $0x38;
	[tilespmem:$0x1EB00] =	vst v63  }
0x3c: {  	s11 =	simm.s32 $0x0;
	s14 =	rddreg [dreg:$0xa]  }
0x3d: {  	[tilespmem:s23], [sflag:$0x3] =	stream.linear.gather [hbm4b:s14+s3], $0x70, $0x38;
	[tilespmem:$0x1EB00] =	vst v63  }
.LBB2_2:
0x3e: {  	_ =	swait.ge [sflag:s24], $0x70  }
0x3f: {  	[sflag:s24] =	ssyncset.done $0x0  }
0x40: {  	[sflag:s24] =	ssyncadd.s32 $0xFFFFFF90  }
0x41: {  	_ =	swait.ge [sflag:s24], $0x70  }
0x42: {  	[sflag:s24] =	ssyncset.done $0x0  }
0x43: {  	[sflag:s24] =	ssyncadd.s32 $0xFFFFFF90  }
0x44: {  	[tilespmem:s26], [sflag:$0x4] =	stream.indirect.gather [hbm4b:s4+s25], $0x80, s3, s25, $0xb8;
	[tilespmem:$0x1EB00] =	vst v63  }
0x45: {  	_ =	swait.ge [sflag:s28], $0x70  }
0x46: {  	[sflag:s28] =	ssyncset.done $0x0  }
0x47: {  	[sflag:s28] =	ssyncadd.s32 $0xFFFFFF90  }
0x48: {  	_ =	swait.ge [sflag:s28], $0x70  }
0x49: {  	[sflag:s28] =	ssyncset.done $0x0  }
0x4a: {  	[sflag:s28] =	ssyncadd.s32 $0xFFFFFF90  }
0x4b: {  	[tilespmem:s29], [sflag:$0x5] =	stream.indirect.gather [hbm4b:s4+s25], $0x80, s20, s25, $0xb8;
	[tilespmem:$0x1EB00] =	vst v63  }
0x4c: {  	_ =	swait.ge [sflag:s30], $0x70  }
0x4d: {  	[sflag:s30] =	ssyncset.done $0x0  }
0x4e: {  	[sflag:s30] =	ssyncadd.s32 $0xFFFFFF90  }
0x4f: {  	_ =	swait.ge [sflag:s30], $0x70  }
0x50: {  	[sflag:s30] =	ssyncset.done $0x0  }
0x51: {  	[sflag:s30] =	ssyncadd.s32 $0xFFFFFF90  }
0x52: {  	[tilespmem:s31], [sflag:$0x6] =	stream.indirect.gather [hbm4b:s4+s25], $0x80, s22, s25, $0xb8;
	[tilespmem:$0x1EB00] =	vst v63  }
0x53: {  	_ =	swait.ge [sflag:s0], $0x3800  }
0x54: {  	[sflag:s0] =	ssyncset.done $0x0  }
0x55: {  	[sflag:s0] =	ssyncadd.s32 $0xFFFFC800  }
0x56: {  	[spmem:s2] =	stream.indirect.scatter.add.f32 [tilespmem:s26], [sflag:$0x7], $0x80, s19, s25, $0xb8;
	[tilespmem:$0x1EB00] =	vst v63  }
0x57: {  	_ =	swait.ge [sflag:s1], $0x3800  }
0x58: {  	[sflag:s1] =	ssyncset.done $0x0  }
0x59: {  	[sflag:s1] =	ssyncadd.s32 $0xFFFFC800  }
0x5a: {  	[spmem:s2] =	stream.indirect.scatter.add.f32 [tilespmem:s29], [sflag:$0x8], $0x80, s21, s25, $0xb8;
	[tilespmem:$0x1EB00] =	vst v63  }
0x5b: {  	_ =	swait.ge [sflag:s5], $0x3800  }
0x5c: {  	p0 =	seq.s32 s11, $0x4C2;
	[sflag:s5] =	ssyncset.done $0x0  }
.Ltmp2:
0x5d: {  	[sflag:s5] =	ssyncadd.s32 $0xFFFFC800;
	(pc) =	sbr.rel @p0 .LBB2_4-.Ltmp2, $4  }
0x5e: {  	[spmem:s2] =	stream.indirect.scatter.add.f32 [tilespmem:s31], [sflag:$0x9], $0x80, s23, s25, $0xb8;
	[tilespmem:$0x1EB00] =	vst v63  }
0x5f: {  	_ =	swait.ge [sflag:s7], $0x3800  }
0x60: {  	[sflag:s7] =	ssyncset.done $0x0  }
0x61: {  	[sflag:s7] =	ssyncadd.s32 $0xFFFFC800  }
0x62: {  	s12 =	sadd.s32 s11, s15  }
0x63: {  	s13 =	sadd.s32 $0x2A, s12  }
0x64: {  	[tilespmem:s3], [sflag:$0x1] =	stream.linear.gather [hbm4b:s13+s3], $0x70, $0x38;
	[tilespmem:$0x1EB00] =	vst v63  }
0x65: {  	s13 =	sadd.s32 s11, s16  }
0x66: {  	s14 =	sadd.s32 $0x2A, s13  }
0x67: {  	[tilespmem:s19], [sflag:$0x1] =	stream.linear.gather [hbm4b:s14+s3], $0x70, $0x38;
	[tilespmem:$0x1EB00] =	vst v63  }
0x68: {  	_ =	swait.ge [sflag:s8], $0x3800  }
0x69: {  	[sflag:s8] =	ssyncset.done $0x0  }
0x6a: {  	s14 =	sadd.s32 $0x38, s12;
	[sflag:s8] =	ssyncadd.s32 $0xFFFFC800  }
0x6b: {  	[tilespmem:s20], [sflag:$0x2] =	stream.linear.gather [hbm4b:s14+s3], $0x70, $0x38;
	[tilespmem:$0x1EB00] =	vst v63  }
0x6c: {  	s14 =	sadd.s32 $0x38, s13  }
0x6d: {  	[tilespmem:s21], [sflag:$0x2] =	stream.linear.gather [hbm4b:s14+s3], $0x70, $0x38;
	[tilespmem:$0x1EB00] =	vst v63  }
0x6e: {  	_ =	swait.ge [sflag:s9], $0x3800  }
.Ltmp3:
0x6f: {  	[sflag:s9] =	ssyncset.done $0x0;
	(pc) =	sbr.rel .LBB2_2-.Ltmp3, $4  }
0x70: {  	s12 =	sadd.s32 $0x46, s12;
	[sflag:s9] =	ssyncadd.s32 $0xFFFFC800  }
0x71: {  	[tilespmem:s22], [sflag:$0x3] =	stream.linear.gather [hbm4b:s12+s3], $0x70, $0x38;
	[tilespmem:$0x1EB00] =	vst v63  }
0x72: {  	s11 =	sadd.s32 $0x2A, s11;
	s14 =	sadd.s32 $0x46, s13  }
0x73: {  	[tilespmem:s23], [sflag:$0x3] =	stream.linear.gather [hbm4b:s14+s3], $0x70, $0x38;
	[tilespmem:$0x1EB00] =	vst v63  }
.LBB2_5:
0x74: {  	_ =	sfence.sel $0x180000  }
0x75: {  	[bflag:$0x0] =	sbarrier.arrive $0xFFFF  }
0x76: {  	_ =	strace $0x9000004D  }
0x77: {  	s0 =	stileid.u32;
	[bflag:$0x2] =	sbarrier.arrive $0xFFFF  }
0x78: {  	p0 =	sne.s32 s0, $0x0;
	s0 =	rddreg [dreg:$0x3]  }
0x79: {  	s0 =	sadd.s32 @!p0 $0x100000, s0  }
0x7a: {  	[sflag:s0] =	ssyncadd.tile.s32 @!p0 $0x1;
	_ =	shalt  }
.Lfunc_end2:
_tile_overlayer_lowered:
.L_overlay_start_2:
0x7b: {  	(tag) =	ssettag $0x2  }
0x7c: {  	s0 =	rddreg [dreg:$0x0];
	s2 =	stileid.u32  }
0x7d: {  	s1 =	rddreg [dreg:$0x1];
	p0 =	sne.s32 s2, $0x0  }
0x7e: {  	s3 =	rddreg [dreg:$0x2];
	[bflag:$0x3] =	sbarrier.arrive $0xFFFF;
	s2 =	simm.s32 @!p0 $0x1C0A  }
0x7f: {  	[timem:s3], [sflag:s2] =	dma.local @!p0 [hbm:s0], s1  }
0x80: {  	s0 =	simm.s32 @!p0 $0xA  }
0x81: {  	_ =	swait.ge @!p0 [sflag:s0], s1  }
0x82: {  	s1 =	ssub.s32 @!p0 $0x0, s1;
	[sflag:s0] =	ssyncset.done @!p0 $0x0  }
0x83: {  	[sflag:s0] =	ssyncadd.s32 @!p0 s1  }
0x84: {  	[bflag:$0x3] =	sbarrier.arrive $0xFFFF  }
0x85: {  	_ =	shalt  }

// kernel: kernel.8.cloned.1.call-start
scs
__scs_entry_jumppad:
0x0: {  	(pc) =	sbr.rel $0x88, $3  }
0x1: {  	(tag) =	ssettag $0x0;
	lr =	simm.s32 $0x1  }
0x2: {  	[smem:$0x3F9B] =	sst lr;
	_ =	strace $0xD0000000  }
0x3: {  	_ = 	snop  }
0x4: {  	_ = 	snop  }
0x5: {  	_ = 	snop  }
0x6: {  	_ = 	snop  }
0x7: {  	_ = 	snop  }
__scs_overlays_trampoline_lowered:
0x8: {  	[smem:$0x3FAA] =	sst s0  }
0x9: {  	[smem:$0x3FAB] =	sst s1  }
0xa: {  	[smem:$0x3FAC] =	sst s2  }
0xb: {  	[smem:$0x3FAD] =	sst s3  }
0xc: {  	[smem:$0x3FAE] =	sst s4  }
0xd: {  	[smem:$0x3FAF] =	sst s5  }
0xe: {  	[smem:$0x3FB0] =	sst s6  }
0xf: {  	[smem:$0x3FB1] =	sst s7  }
0x10: {  	[smem:$0x3FB2] =	sst s8  }
0x11: {  	[smem:$0x3FB3] =	sst s9;
	s0 =	simm.s32 @!p0 $0x0  }
0x12: {  	s1 =	sld [smem:$0x3F99];
	s0 =	simm.s32 @p0 $0x1  }
0x13: {  	[smem:$0x3FB4] =	sst s0;
	s0 =	simm.s32 @!p1 $0x0  }
0x14: {  	s2 =	sld [smem:$0x3F98];
	s0 =	simm.s32 @p1 $0x1  }
0x15: {  	[smem:$0x3FB5] =	sst s0;
	s0 =	simm.s32 @!p2 $0x0  }
0x16: {  	s3 =	sld [smem:$0x3FDB];
	s0 =	simm.s32 @p2 $0x1  }
0x17: {  	s4 =	simm.s32 $0x1BF5;
	[smem:$0x3FB7] =	sst s0  }
0x18: {  	s0 =	sld [smem:$0x3F9A];
	_ =	swait.ge [sflag:s4], $0x0  }
0x19: {  	s7 =	sld [smem:$0x3F9B]  }
0x1a: {  	s8 =	sadd.s32 $0xFFFFE003, lr  }
0x1b: {  	s9 =	sadd.s32 $0xFFFFFEF7, lr;
	s5 =	simm.s32 $0xFFFFFFFF;
	p2 =	slt.u32 s8, $0xFFFFF086  }
0x1c: {  	p1 =	slt.u32 s9, $0xF7A;
	s5 =	simm.s32 @!p2 $0x0  }
0x1d: {  	s5 =	simm.s32 @p1 $0x1;
	p0 =	seq.s32 s7, s2  }
0x1e: {  	s7 =	smul.u32 @!p0 $0xF7A, s2;
	p2 =	seq.s32 @!p0 s5, $0x0  }
0x1f: {  	s9 =	smul.u32 $0xF7A, s1;
	s8 =	simm.s32 @!p0 $0x1BF5;
	p2 =	por !p2, p0  }
0x20: {  	[sflag:s8] =	ssyncset.s32 @!p0 $0xFFFFF086;
	s6 =	sadd.s32 @!p0 s3, s7;
	s7 =	simm.s32 @!p0 $0x108  }
0x21: {  	s3 =	sadd.s32 s3, s9;
	s6 =	sadd.s32 @!p0 $0x88, s6;
	s7 =	simm.s32 @p2 $0x1082  }
0x22: {  	[simem:s7], [sflag:s8] =	dma.local @!p0 [hbm:s6], $0xF7A  }
0x23: {  	s9 =	sor.u32 $0xD0000000, s2;
	s6 =	simm.s32 $0x108;
	_ =	swait.ge @!p0 [sflag:s8], $0x0  }
0x24: {  	s3 =	sadd.s32 $0x88, s3;
	s6 =	simm.s32 @!p1 $0x1082;
	[sflag:s4] =	ssyncset.s32 $0xFFFFF086  }
0x25: {  	[simem:s6], [sflag:s4] =	dma.local [hbm:s3], $0xF7A  }
0x26: {  	[smem:$0x3F9B] =	sst s1;
	(tag) =	ssettag s2;
	_ =	strace s9  }
0x27: {  	s1 =	sld [smem:$0x3FAB]  }
0x28: {  	s2 =	sld [smem:$0x3FAC]  }
0x29: {  	s4 =	sld [smem:$0x3FAE]  }
0x2a: {  	p0 =	seq.s32 s5, $0x0;
	s5 =	sld [smem:$0x3FAF]  }
0x2b: {  	s6 =	sld [smem:$0x3FB0]  }
0x2c: {  	s7 =	sld [smem:$0x3FB1]  }
0x2d: {  	s3 =	simm.s32 $0x108;
	s8 =	sld [smem:$0x3FB2]  }
0x2e: {  	s3 =	simm.s32 @!p0 $0x1082;
	s9 =	sld [smem:$0x3FB3]  }
0x2f: {  	lr =	sadd.s32 s0, s3;
	s0 =	sld [smem:$0x3FAA]  }
0x30: {  	s3 =	sld [smem:$0x3FAD]  }
0x31: {  	[smem:$0x3FB6] =	sst s10  }
0x32: {  	s10 =	sld [smem:$0x3FB4];
	_ =	sdelay $0x3  }
0x33: {  	p0 =	seq.s32 s10, $0x1;
	s10 =	sld [smem:$0x3FB6];
	_ =	sdelay $0x3  }
0x34: {  	[smem:$0x3FB6] =	sst s10  }
0x35: {  	s10 =	sld [smem:$0x3FB5];
	_ =	sdelay $0x3  }
0x36: {  	p1 =	seq.s32 s10, $0x1;
	s10 =	sld [smem:$0x3FB6];
	_ =	sdelay $0x3  }
0x37: {  	[smem:$0x3FB6] =	sst s10  }
0x38: {  	s10 =	sld [smem:$0x3FB7]  }
0x39: {  	_ = 	snop;
	(pc) =	sbr.ind lr, $3  }
0x3a: {  	_ = 	snop  }
0x3b: {  	_ = 	snop  }
0x3c: {  	p2 =	seq.s32 s10, $0x1;
	s10 =	sld [smem:$0x3FB6]  }
0x3d: {  	_ =	shalt  }
0x3e: {  	_ =	shalt  }
0x3f: {  	_ =	shalt  }
0x40: {  	_ =	shalt  }
0x41: {  	_ =	shalt  }
0x42: {  	_ =	shalt  }
0x43: {  	_ =	shalt  }
0x44: {  	_ =	shalt  }
0x45: {  	_ =	shalt  }
0x46: {  	_ =	shalt  }
0x47: {  	_ =	shalt  }
0x48: {  	_ =	shalt  }
0x49: {  	_ =	shalt  }
0x4a: {  	_ =	shalt  }
0x4b: {  	_ =	shalt  }
0x4c: {  	_ =	shalt  }
0x4d: {  	_ =	shalt  }
0x4e: {  	_ =	shalt  }
0x4f: {  	_ =	shalt  }
0x50: {  	_ =	shalt  }
0x51: {  	_ =	shalt  }
0x52: {  	_ =	shalt  }
0x53: {  	_ =	shalt  }
0x54: {  	_ =	shalt  }
0x55: {  	_ =	shalt  }
0x56: {  	_ =	shalt  }
0x57: {  	_ =	shalt  }
0x58: {  	_ =	shalt  }
0x59: {  	_ =	shalt  }
0x5a: {  	_ =	shalt  }
0x5b: {  	_ =	shalt  }
0x5c: {  	_ =	shalt  }
0x5d: {  	_ =	shalt  }
0x5e: {  	_ =	shalt  }
0x5f: {  	_ =	shalt  }
0x60: {  	_ =	shalt  }
0x61: {  	_ =	shalt  }
0x62: {  	_ =	shalt  }
0x63: {  	_ =	shalt  }
0x64: {  	_ =	shalt  }
0x65: {  	_ =	shalt  }
0x66: {  	_ =	shalt  }
0x67: {  	_ =	shalt  }
0x68: {  	_ =	shalt  }
0x69: {  	_ =	shalt  }
0x6a: {  	_ =	shalt  }
0x6b: {  	_ =	shalt  }
0x6c: {  	_ =	shalt  }
0x6d: {  	_ =	shalt  }
0x6e: {  	_ =	shalt  }
0x6f: {  	_ =	shalt  }
0x70: {  	_ =	shalt  }
0x71: {  	_ =	shalt  }
0x72: {  	_ =	shalt  }
0x73: {  	_ =	shalt  }
0x74: {  	_ =	shalt  }
0x75: {  	_ =	shalt  }
0x76: {  	_ =	shalt  }
0x77: {  	_ =	shalt  }
0x78: {  	_ =	shalt  }
0x79: {  	_ =	shalt  }
0x7a: {  	_ =	shalt  }
0x7b: {  	_ =	shalt  }
0x7c: {  	_ =	shalt  }
0x7d: {  	_ =	shalt  }
0x7e: {  	_ =	shalt  }
0x7f: {  	_ =	shalt  }
0x80: {  	_ =	shalt  }
0x81: {  	_ =	shalt  }
0x82: {  	_ =	shalt  }
0x83: {  	_ =	shalt  }
0x84: {  	_ =	shalt  }
0x85: {  	_ =	shalt  }
0x86: {  	_ =	shalt  }
0x87: {  	_ =	shalt  }
.Lfunc_end0:
.L_simem_size_0:
called_computation_lowered:
.L_overlay_start_0:
0x88: {  	s2 =	sld [smem:$0x3FD9]  }
0x89: {  	s3 =	sld [smem:$0x3FFE];
	_ =	sdelay $0x1  }
0x8a: {  	s1 =	srdreg.scid  }
0x8b: {  	s0 =	sand.u32 $0x1, s1  }
0x8c: {  	s16 =	sshll.u32 s0, $0xA;
	s2 =	sadd.s32 s3, s2  }
0x8d: {  	s2 =	sadd.s32 s2, s16  }
0x8e: {  	[smem:$0x3FC2] =	sst s2  }
0x8f: {  	_ = 	snop  }
0x90: {  	(tm) =	ssettm $0x1  }
0x91: {  	s17 =	sld [smem:$0x3FFB];
	_ =	sdelay $0x3  }
0x92: {  	_ =	strace s17  }
0x93: {  	s2 =	sld [smem:$0x3FFC];
	_ =	sdelay $0x3  }
0x94: {  	_ =	strace s2  }
0x95: {  	s2 =	sld [smem:$0x3FFD];
	_ =	sdelay $0x3  }
0x96: {  	_ =	strace s2  }
0x97: {  	_ =	strace $0x8FFFFFFF  }
0x98: {  	s18 =	sld [smem:$0x3FDB];
	_ =	sdelay $0x1  }
0x99: {  	s19 =	simm.s32 $_scs_section_size  }
0x9a: {  	s4 =	simm.s32 $_size__tile_overlayer_lowered;
	s5 =	simm.s32 $_tile_overlayer_lowered  }
0x9b: {  	s22 =	simm.s32 $0x1BFF;
	s21 =	sshll.u32 s5, $0x1;
	s2 =	sadd.s32 s19, s18  }
0x9c: {  	s6 =	simm.s32 $0x0;
	s20 =	sshll.u32 s4, $0x1;
	s4 =	sadd.s32 s21, s2  }
0x9d: {  	[timem:s6], [sflag:s22] =	dma.local [hbm:s4], s20  }
0x9e: {  	_ =	swait.ge [sflag:s22], s20  }
0x9f: {  	s3 =	ssub.s32 $0x0, s20;
	[sflag:s22] =	ssyncset.done $0x0  }
0xa0: {  	[sflag:s22] =	ssyncadd.s32 s3;
	_ =	sdelay $0x1  }
0xa1: {  	s23 =	simm.s32 $0x1B8B  }
0xa2: {  	_ =	swait.ge [sflag:s23], $0x1  }
0xa3: {  	[sflag:s23] =	ssyncset.done $0x0  }
0xa4: {  	s25 =	simm.s32 $0x1B8E;
	s24 =	sld [smem:$0x3FFE];
	[sflag:s23] =	ssyncadd.s32 $0xFFFFFFFF  }
0xa5: {  	s26 =	simm.s32 $execute0_lowered;
	[smem:$0x3FD2] =	sst s25  }
0xa6: {  	s4 =	sshll.u32 s26, $0x1;
	_ =	strace $0x80000046;
	[dreg:$0x1] =	wrdreg $0xFFFFFFFF  }
0xa7: {  	s28 =	simm.s32 $_size_execute0_lowered;
	s2 =	sadd.s32 s2, s4;
	[dreg:$0x0] =	wrdreg $0x0  }
0xa8: {  	s4 =	sshll.u32 s28, $0x1;
	[dreg:$0x2] =	wrdreg s2  }
0xa9: {  	[dreg:$0x3] =	wrdreg s4  }
0xaa: {  	[dreg:$0x4] =	wrdreg $0xC0  }
0xab: {  	_ =	task [dreg:s6], $0x5FFFF  }
0xac: {  	[dreg:$0x1] =	wrdreg $0xFFFFFFFF  }
0xad: {  	[dreg:$0x0] =	wrdreg $0x60  }
0xae: {  	[dreg:$0x2] =	wrdreg s24  }
0xaf: {  	[dreg:$0x3] =	wrdreg $0x39000  }
0xb0: {  	[dreg:$0x4] =	wrdreg $0x9  }
0xb1: {  	_ =	task.clear_ibuf [dreg:s6], $0x5FFFF;
	_ =	strace $0x90000046  }
0xb2: {  	s29 =	simm.s32 $0x9;
	_ =	strace $0x80000048  }
0xb3: {  	_ =	swait.ge [sflag:s29], $0x1  }
0xb4: {  	[sflag:s29] =	ssyncadd.s32 $0xFFFFFFFF  }
0xb5: {  	_ =	strace $0x90000048  }
0xb6: {  	_ =	sfence  }
0xb7: {  	s30 =	sld [smem:$0x0];
	_ =	sdelay $0x2  }
0xb8: {  	s31 =	sshll.u32 s1, $0xD;
	s1 =	sshrl.u32 s1, $0x2  }
0xb9: {  	s3 =	sand.u32 $0x4000, s31;
	s1 =	sadd.s32 s1, s30  }
0xba: {  	s0 =	sor.u32 s3, s0;
	s1 =	sshll.u32 s1, $0x11  }
0xbb: {  	s0 =	sor.u32 s1, s0  }
0xbc: {  	s0 =	sadd.s32 $0x8F2B, s0  }
0xbd: {  	[sflag:s0] =	ssyncadd.remote.s32 $0x1  }
0xbe: {  	_ =	sfence.sel $0xFFFF  }
0xbf: {  	[dreg:$0x0] =	wrdreg $0xFFFFFFFF;
	(pc) =	sbr.abs _section_cstart, $3  }
0xc0: {  	[dreg:$0x1] =	wrdreg $0xFFFFFFFF  }
0xc1: {  	_ =	task.clear_ibuf [dreg:s6], $0x2FFFF;
	_ =	strace $0x9FFFFFFF  }
0xc2: {  	(tm) =	ssettm $0x7FFFFFFF  }
0xc3: {  	_ =	shalt  }
tec
execute0_lowered:
.L_overlay_start_1:
0x0: {  	(tag) =	ssettag $0x1  }
0x1: {  	s7 =	rddreg [dreg:$0x0]  }
0x2: {  	s1 =	rddreg [dreg:$0x1]  }
0x3: {  	s0 =	rddreg [dreg:$0x2];
	s3 =	simm.s32 $0x0;
	s2 =	srdreg.scid  }
0x4: {  	s17 =	simm.s32 $0x80;
	s18 =	simm.s32 $0x1;
	s19 =	simm.s32 $0x70  }
0x5: {  	s20 =	simm.s32 $0x2;
	s21 =	simm.s32 $0x3;
	s8 =	sand.u32 $0x1, s2  }
0x6: {  	s22 =	simm.s32 $0x4;
	s2 =	stileid.u32;
	s6 =	smul.u32 $0x140000, s8  }
0x7: {  	s23 =	simm.s32 $0x0;
	[smem:$0x7FF] =	sst s3;
	s9 =	smul.u32 $0x14000, s2  }
0x8: {  	s4 =	sadd.s32 $0x2600, s7;
	s5 =	sadd.s32 $0xCC00, s7;
	s11 =	smul.u32 $0x50000, s2  }
0x9: {  	s10 =	sshll.u32 s8, $0x4;
	s26 =	ssub.s32 $0x2, s8;
	s8 =	smul.u32 $0x27600, s8  }
0xa: {  	_ =	strace $0x80000047;
	s13 =	smul.u32 $0x2760, s2;
	s30 =	sshll.u32 s2, $0x6  }
0xb: {  	s10 =	sor.u32 s2, s10;
	s28 =	sshrl.u32 s26, $0x1;
	s9 =	sadd.s32 s9, s6  }
0xc: {  	s6 =	sadd.s32 $0xC400, s7;
	s10 =	smul.u32 $0x2760, s10;
	s11 =	sshrl.u32 s11, $0x2  }
0xd: {  	s14 =	ssub.s32 s26, s28;
	s13 =	sadd.s32 s13, s8;
	s8 =	sor.u32 $0x1C05, s30  }
0xe: {  	s9 =	sshrl.u32 s9, $0x3;
	s15 =	sadd.s32 s11, s1;
	s16 =	sadd.s32 $0x150, s13  }
0xf: {  	s11 =	smax.u32 s14, $0x1;
	s13 =	sadd.s32 $0xE0, s13;
	s12 =	sadd.s32 s9, s7  }
0x10: {  	s29 =	sshrl.u32 s10, $0x3;
	s31 =	sshrl.u32 s16, $0x3;
	s14 =	sshrl.u32 s15, $0x3  }
0x11: {  	s15 =	simm.s32 $0x5;
	s16 =	simm.s32 $0x100;
	s7 =	sadd.s32 s4, s29  }
0x12: {  	s10 =	sadd.s32 $0xF400, s12;
	s12 =	sadd.s32 s31, s4;
	s9 =	sadd.s32 $0xE, s7  }
.LBB2_1:
0x13: {  	[spmem:s14], [sflag:s8] =	dma.local [hbm:s5], $0x2800  }
0x14: {  	_ =	swait.ge [sflag:s15], $0x2800  }
0x15: {  	[sflag:s15] =	ssyncset.done $0x0  }
0x16: {  	[sflag:s15] =	ssyncadd.s32 $0xFFFFD800  }
0x17: {  	[tilespmem:s16], [sflag:$0x5] =	stream.linear.gather [hbm4b:s6+s3], $0x3800, $0x38;
	[tilespmem:$0x17900] =	vst v63  }
0x18: {  	_ =	swait.ge [sflag:s15], $0x3800  }
0x19: {  	[sflag:s15] =	ssyncset.done $0x0  }
0x1a: {  	[sflag:s15] =	ssyncadd.s32 $0xFFFFC800  }
0x1b: {  	[bflag:$0x0] =	sbarrier.arrive $0xFFFF  }
0x1c: {  	[tilespmem:s3], [sflag:$0x1] =	stream.linear.gather [hbm4b:s7+s3], $0x70, $0x38;
	[tilespmem:$0x17900] =	vst v63  }
0x1d: {  	_ = 	snop  }
0x1e: {  	[tilespmem:s17], [sflag:$0x2] =	stream.linear.gather [hbm4b:s9+s3], $0x70, $0x38;
	[tilespmem:$0x17900] =	vst v63  }
0x1f: {  	_ =	swait.ge [sflag:s18], $0x70  }
0x20: {  	[sflag:s18] =	ssyncset.done $0x0  }
0x21: {  	[sflag:s18] =	ssyncadd.s32 $0xFFFFFF90  }
0x22: {  	[spmem:s1] =	stream.indirect.scatter.add.f32 [tilespmem:s16], [sflag:$0x3], $0x80, s3, s19, $0xb8;
	[tilespmem:$0x17900] =	vst v63  }
0x23: {  	_ =	swait.ge [sflag:s20], $0x70  }
0x24: {  	[sflag:s20] =	ssyncset.done $0x0  }
0x25: {  	[sflag:s20] =	ssyncadd.s32 $0xFFFFFF90  }
0x26: {  	[spmem:s1] =	stream.indirect.scatter.add.f32 [tilespmem:s16], [sflag:$0x4], $0x80, s17, s19, $0xb8;
	[tilespmem:$0x17900] =	vst v63  }
0x27: {  	_ =	swait.ge [sflag:s21], $0x3800  }
0x28: {  	s24 =	sshrl.u32 s13, $0x3;
	[sflag:s21] =	ssyncset.done $0x0  }
0x29: {  	s24 =	sadd.s32 s4, s24;
	[sflag:s21] =	ssyncadd.s32 $0xFFFFC800  }
0x2a: {  	[tilespmem:s3], [sflag:$0x1] =	stream.linear.gather [hbm4b:s24+s3], $0x70, $0x38;
	[tilespmem:$0x17900] =	vst v63  }
0x2b: {  	_ =	swait.ge [sflag:s22], $0x3800  }
0x2c: {  	s26 =	sadd.s32 $0x0, s12;
	[sflag:s22] =	ssyncset.done $0x0  }
0x2d: {  	s25 =	sadd.s32 $0xE0, s13;
	s24 =	simm.s32 $0x1C;
	[sflag:s22] =	ssyncadd.s32 $0xFFFFC800  }
.LBB2_2:
0x2e: {  	[tilespmem:s17], [sflag:$0x2] =	stream.linear.gather [hbm4b:s26+s3], $0x70, $0x38;
	[tilespmem:$0x17900] =	vst v63  }
0x2f: {  	s26 =	smov.u32 s24  }
0x30: {  	p0 =	sne.s32 s24, $0x4B4;
	s24 =	sadd.s32 $0x1C, s24;
	_ =	swait.ge [sflag:s18], $0x70  }
0x31: {  	[sflag:s18] =	ssyncset.done $0x0  }
0x32: {  	[sflag:s18] =	ssyncadd.s32 $0xFFFFFF90  }
0x33: {  	[spmem:s1] =	stream.indirect.scatter.add.f32 [tilespmem:s16], [sflag:$0x3], $0x80, s3, s19, $0xb8;
	[tilespmem:$0x17900] =	vst v63  }
0x34: {  	_ =	swait.ge [sflag:s20], $0x70  }
0x35: {  	[sflag:s20] =	ssyncset.done $0x0  }
0x36: {  	[sflag:s20] =	ssyncadd.s32 $0xFFFFFF90  }
0x37: {  	[spmem:s1] =	stream.indirect.scatter.add.f32 [tilespmem:s16], [sflag:$0x4], $0x80, s17, s19, $0xb8;
	[tilespmem:$0x17900] =	vst v63  }
0x38: {  	_ =	swait.ge [sflag:s21], $0x3800  }
0x39: {  	s28 =	sshrl.u32 s25, $0x3;
	[sflag:s21] =	ssyncset.done $0x0  }
.Ltmp0:
0x3a: {  	s28 =	sadd.s32 s4, s28;
	[sflag:s21] =	ssyncadd.s32 $0xFFFFC800;
	(pc) =	sbr.rel @p0 .LBB2_2-.Ltmp0, $4  }
0x3b: {  	[tilespmem:s3], [sflag:$0x1] =	stream.linear.gather [hbm4b:s28+s3], $0x70, $0x38;
	[tilespmem:$0x17900] =	vst v63  }
0x3c: {  	_ =	swait.ge [sflag:s22], $0x3800  }
0x3d: {  	[sflag:s22] =	ssyncset.done $0x0  }
0x3e: {  	s25 =	sadd.s32 $0xE0, s25;
	s26 =	sadd.s32 s26, s12;
	[sflag:s22] =	ssyncadd.s32 $0xFFFFC800  }
0x3f: {  	[tilespmem:s17], [sflag:$0x2] =	stream.linear.gather [hbm4b:s26+s3], $0x70, $0x38;
	[tilespmem:$0x17900] =	vst v63  }
0x40: {  	_ =	swait.ge [sflag:s18], $0x70  }
0x41: {  	[sflag:s18] =	ssyncset.done $0x0  }
0x42: {  	[sflag:s18] =	ssyncadd.s32 $0xFFFFFF90  }
0x43: {  	[spmem:s1] =	stream.indirect.scatter.add.f32 [tilespmem:s16], [sflag:$0x3], $0x80, s3, s19, $0xb8;
	[tilespmem:$0x17900] =	vst v63  }
0x44: {  	_ =	swait.ge [sflag:s20], $0x70  }
0x45: {  	[sflag:s20] =	ssyncset.done $0x0  }
0x46: {  	[sflag:s20] =	ssyncadd.s32 $0xFFFFFF90  }
0x47: {  	[spmem:s1] =	stream.indirect.scatter.add.f32 [tilespmem:s16], [sflag:$0x4], $0x80, s17, s19, $0xb8;
	[tilespmem:$0x17900] =	vst v63  }
0x48: {  	_ =	swait.ge [sflag:s21], $0x3800  }
0x49: {  	[sflag:s21] =	ssyncset.done $0x0  }
0x4a: {  	[sflag:s21] =	ssyncadd.s32 $0xFFFFC800  }
0x4b: {  	_ =	swait.ge [sflag:s22], $0x3800  }
0x4c: {  	s23 =	sadd.s32 $0x1, s23;
	[sflag:s22] =	ssyncset.done $0x0  }
0x4d: {  	p0 =	sne.s32 s23, s11;
	[sflag:s22] =	ssyncadd.s32 $0xFFFFC800  }
.Ltmp1:
0x4e: {  	[bflag:$0x0] =	sbarrier.arrive $0xFFFF;
	(pc) =	sbr.rel @p0 .LBB2_1-.Ltmp1, $4  }
0x4f: {  	[hbm:s10], [sflag:s8] =	dma.local [spmem:s14], $0x2800  }
0x50: {  	_ =	swait.ge [sflag:s15], $0x2800  }
0x51: {  	[sflag:s15] =	ssyncset.done $0x0  }
0x52: {  	[sflag:s15] =	ssyncadd.s32 $0xFFFFD800  }
0x53: {  	_ =	sfence.sel $0x180000  }
0x54: {  	[bflag:$0x0] =	sbarrier.arrive $0xFFFF  }
0x55: {  	p0 =	sne.s32 s2, $0x0;
	_ =	strace $0x90000047  }
0x56: {  	s0 =	sadd.s32 @!p0 $0x100000, s0;
	[bflag:$0x2] =	sbarrier.arrive $0xFFFF  }
0x57: {  	[sflag:s0] =	ssyncadd.tile.s32 @!p0 $0x1;
	_ =	shalt  }
.Lfunc_end2:
_tile_overlayer_lowered:
.L_overlay_start_2:
0x58: {  	(tag) =	ssettag $0x2  }
0x59: {  	s0 =	rddreg [dreg:$0x0];
	s2 =	stileid.u32  }
0x5a: {  	s1 =	rddreg [dreg:$0x1];
	p0 =	sne.s32 s2, $0x0  }
0x5b: {  	s3 =	rddreg [dreg:$0x2];
	[bflag:$0x3] =	sbarrier.arrive $0xFFFF;
	s2 =	simm.s32 @!p0 $0x1C05  }
0x5c: {  	[timem:s3], [sflag:s2] =	dma.local @!p0 [hbm:s0], s1  }
0x5d: {  	s0 =	simm.s32 @!p0 $0x5  }
0x5e: {  	_ =	swait.ge @!p0 [sflag:s0], s1  }
0x5f: {  	s1 =	ssub.s32 @!p0 $0x0, s1;
	[sflag:s0] =	ssyncset.done @!p0 $0x0  }
0x60: {  	[sflag:s0] =	ssyncadd.s32 @!p0 s1  }
0x61: {  	[bflag:$0x3] =	sbarrier.arrive $0xFFFF  }
0x62: {  	_ =	shalt  }

</sc_bundles>
